<compile_context>
chip_gen: v7x
topology: tpu7x:2x2x1
jax: 0.10.2.dev20260603
libtpu: 0.0.44.dev20260713+nightly
codegen_flags: <defaults>
</compile_context>

<pallas_src>
import functools

import jax
import jax.numpy as jnp
from jax import lax
from jax.experimental import pallas as pl
from jax.experimental.pallas import tpu as pltpu
from jax.experimental.pallas import tpu_sc as plsc

H = 128
NUM_RBF = 20
K = 16
CUTOFF = 10.0
OUT_DIM = 2
B = 32
N_RAW = 6600
NPAD = 6656
NBLK = NPAD // 128
NCH = 13
CW = 512
E_PAD = NPAD * K


def _embed_body(x_ref, w_ref, o_ref):
    o_ref[...] = jnp.dot(x_ref[...], w_ref[...],
                         preferred_element_type=jnp.float32)


def _embed(x, w):
    f = x.shape[1]
    return pl.pallas_call(
        _embed_body,
        grid=(NBLK,),
        in_specs=[pl.BlockSpec((128, f), lambda i: (i, 0)),
                  pl.BlockSpec((f, H), lambda i: (0, 0))],
        out_specs=pl.BlockSpec((128, H), lambda i: (i, 0)),
        out_shape=jax.ShapeDtypeStruct((NPAD, H), jnp.float32),
    )(x, w)


_COLBITS = 0x1FFF


def _knn_body(clo_ref, chi_ref, pos_blk_ref, pos_ch_ref, bat_ch_ref,
              bat_row_ref, idx_ref, d_ref, s_ref, d2_ref):
    i = pl.program_id(0)
    clo = clo_ref[i]
    chi = chi_ref[i]
    pos_blk = pos_blk_ref[...]
    x2r = jnp.sum(pos_blk * pos_blk, axis=1, keepdims=True)
    brow = bat_row_ref[...]
    rowid = i * 128 + lax.broadcasted_iota(jnp.int32, (128, 1), 0)

    def fill(c, _):
        pc = pos_ch_ref[c]
        x2c = jnp.sum(pc * pc, axis=0, keepdims=True)
        dt = jnp.dot(pos_blk, pc, preferred_element_type=jnp.float32)
        d2 = jnp.maximum(x2r + x2c - 2.0 * dt, 0.0)
        bc = bat_ch_ref[c]
        col = c * CW + lax.broadcasted_iota(jnp.int32, (128, CW), 1)
        bad = (bc != brow) | (col == rowid)
        d2 = jnp.where(bad, jnp.inf, d2)
        key = (lax.bitcast_convert_type(d2, jnp.int32)
               & ~_COLBITS) | col
        s_ref[c] = key
        d2_ref[c] = d2
        return 0

    lax.fori_loop(clo, chi + 1, fill, 0)

    imax = jnp.int32(0x7FFFFFFF)

    def extract(t, kt):
        def scan_min(c, m):
            ch = s_ref[c]
            cand = jnp.where(ch > kt, ch, imax)
            return jnp.minimum(m, jnp.min(cand, axis=1, keepdims=True))

        m0 = jnp.full((128, 1), imax, jnp.int32)
        m = lax.fori_loop(clo, chi + 1, scan_min, m0)

        def scan_d2(c, a):
            hit = jnp.where(s_ref[c] == m, d2_ref[c], jnp.inf)
            return jnp.minimum(a, jnp.min(hit, axis=1, keepdims=True))

        a0 = jnp.full((128, 1), jnp.inf, jnp.float32)
        d2x = lax.fori_loop(clo, chi + 1, scan_d2, a0)
        idx_ref[t] = jnp.minimum(m & _COLBITS, NPAD - 1)
        d_ref[t] = jnp.sqrt(jnp.maximum(d2x, 0.0) + 1e-12)
        return m

    kt0 = jnp.full((128, 1), jnp.int32(-0x80000000), jnp.int32)
    lax.fori_loop(0, K, extract, kt0)


def _knn(pos_pad, pos_chunks, bat_chunks, bat_rows, clo, chi):
    return pl.pallas_call(
        _knn_body,
        grid=(NBLK,),
        in_specs=[pl.BlockSpec(memory_space=pltpu.SMEM),
                  pl.BlockSpec(memory_space=pltpu.SMEM),
                  pl.BlockSpec((128, 8), lambda i: (i, 0)),
                  pl.BlockSpec((NCH, 8, CW), lambda i: (0, 0, 0)),
                  pl.BlockSpec((NCH, 1, CW), lambda i: (0, 0, 0)),
                  pl.BlockSpec((128, 1), lambda i: (i, 0))],
        out_specs=[pl.BlockSpec((K, 128, 1), lambda i: (0, i, 0)),
                   pl.BlockSpec((K, 128, 1), lambda i: (0, i, 0))],
        out_shape=[jax.ShapeDtypeStruct((K, NPAD, 1), jnp.int32),
                   jax.ShapeDtypeStruct((K, NPAD, 1), jnp.float32)],
        scratch_shapes=[pltpu.VMEM((NCH, 128, CW), jnp.int32),
                        pltpu.VMEM((NCH, 128, CW), jnp.float32)],
    )(clo, chi, pos_pad, pos_chunks, bat_chunks, bat_rows)


_SC_CH = 416
GD = H


def _make_sc_gather():
    info = plsc.get_sparse_core_info()
    nw = info.num_cores * info.num_subcores
    b_per_w = E_PAD // nw
    iters = b_per_w // _SC_CH
    mesh = plsc.VectorSubcoreMesh(core_axis_name="c", subcore_axis_name="s")

    @functools.partial(
        pl.kernel, mesh=mesh,
        out_type=jax.ShapeDtypeStruct((E_PAD, GD), jnp.float32),
        scratch_types=[pltpu.VMEM((_SC_CH,), jnp.int32),
                       pltpu.VMEM((_SC_CH, GD), jnp.float32),
                       pltpu.SemaphoreType.DMA],
    )
    def gather(h_hbm, idx_hbm, out_hbm, idx_v, rows_v, sem):
        wid = lax.axis_index("s") * info.num_cores + lax.axis_index("c")
        base = wid * b_per_w

        def body(i, _):
            off = base + i * _SC_CH
            pltpu.sync_copy(idx_hbm.at[pl.ds(off, _SC_CH)], idx_v)
            pltpu.async_copy(h_hbm.at[idx_v], rows_v, sem).wait()
            pltpu.sync_copy(rows_v, out_hbm.at[pl.ds(off, _SC_CH)])
            return 0

        lax.fori_loop(0, iters, body, 0)

    return gather


_sc_gather = None


def _gather_rows(h, idx):
    global _sc_gather
    if _sc_gather is None:
        _sc_gather = _make_sc_gather()
    return _sc_gather(h, idx)


def _layer_body(h_ref, hs_ref, d_ref,
                we1d_ref, we1s_ref, we1r_ref, be1_ref,
                we2_ref, be2_ref,
                wn1h_ref, wn1a_ref, bn1_ref, wn2_ref, bn2_ref,
                lng_ref, lnb_ref, o_ref):
    h_blk = h_ref[...]
    hs = hs_ref[...]
    d = d_ref[...]

    step = CUTOFF / (NUM_RBF - 1)
    coeff = -0.5 / (step * step)
    offi = lax.broadcasted_iota(jnp.int32, (1, 32), 1)
    offs = jnp.where(offi < NUM_RBF, offi.astype(jnp.float32) * step, 1e6)
    rbf = jnp.exp(coeff * (d - offs) ** 2)

    t = jnp.dot(h_blk, we1d_ref[...], preferred_element_type=jnp.float32)
    t_rep = jnp.broadcast_to(t[:, None, :], (128, K, H)).reshape(128 * K, H)
    m1 = (t_rep
          + jnp.dot(hs, we1s_ref[...], preferred_element_type=jnp.float32)
          + jnp.dot(rbf, we1r_ref[...], preferred_element_type=jnp.float32)
          + be1_ref[...])
    m1 = jnp.maximum(m1, 0.0)
    m2 = jnp.dot(m1, we2_ref[...], preferred_element_type=jnp.float32)
    m2 = jnp.maximum(m2 + be2_ref[...], 0.0)
    m2 = m2 * (d <= CUTOFF).astype(jnp.float32)
    agg = jnp.sum(m2.reshape(128, K, H), axis=1)

    u = (jnp.dot(h_blk, wn1h_ref[...], preferred_element_type=jnp.float32)
         + jnp.dot(agg, wn1a_ref[...], preferred_element_type=jnp.float32)
         + bn1_ref[...])
    u = jnp.maximum(u, 0.0)
    u = jnp.dot(u, wn2_ref[...], preferred_element_type=jnp.float32) \
        + bn2_ref[...]
    r = h_blk + u
    mu = jnp.mean(r, axis=-1, keepdims=True)
    var = jnp.mean((r - mu) ** 2, axis=-1, keepdims=True)
    o_ref[...] = (r - mu) / jnp.sqrt(var + 1e-5) * lng_ref[...] \
        + lnb_ref[...]


def _layer(h, hs, d_flat, lw):
    row = lambda a: a.reshape(1, -1)
    args = (h, hs, d_flat,
            lw['We1'][:H], lw['We1'][H:2 * H],
            jnp.pad(lw['We1'][2 * H:], ((0, 32 - NUM_RBF), (0, 0))),
            row(lw['be1']),
            lw['We2'], row(lw['be2']),
            lw['Wn1'][:H], lw['Wn1'][H:], row(lw['bn1']),
            lw['Wn2'], row(lw['bn2']),
            row(lw['ln_g']), row(lw['ln_b']))
    const = lambda shp: pl.BlockSpec(shp, lambda i: tuple(0 for _ in shp))
    return pl.pallas_call(
        _layer_body,
        grid=(NBLK,),
        in_specs=[pl.BlockSpec((128, H), lambda i: (i, 0)),
                  pl.BlockSpec((128 * K, H), lambda i: (i, 0)),
                  pl.BlockSpec((128 * K, 1), lambda i: (i, 0)),
                  const((H, H)), const((H, H)), const((32, H)),
                  const((1, H)), const((H, H)), const((1, H)),
                  const((H, H)), const((H, H)), const((1, H)),
                  const((H, H)), const((1, H)),
                  const((1, H)), const((1, H))],
        out_specs=pl.BlockSpec((128, H), lambda i: (i, 0)),
        out_shape=jax.ShapeDtypeStruct((NPAD, H), jnp.float32),
    )(*args)


def _final_body(h_ref, enc_ref, bat_ref,
                w1h_ref, w1e_ref, b1_ref, w2_ref, b2_ref,
                encg_ref, wo1h_ref, wo1g_ref, bo1_ref,
                wo2_ref, bo2_ref, kind_ref, o_ref, acc_ref):
    i = pl.program_id(0)

    he = (jnp.dot(h_ref[...], w1h_ref[...],
                  preferred_element_type=jnp.float32)
          + jnp.dot(enc_ref[...], w1e_ref[...],
                    preferred_element_type=jnp.float32)
          + b1_ref[...])
    he = jnp.maximum(he, 0.0)
    h2 = jnp.dot(he, w2_ref[...], preferred_element_type=jnp.float32) \
        + b2_ref[...]

    oh = (bat_ref[...] ==
          lax.broadcasted_iota(jnp.int32, (1, B), 1)).astype(jnp.float32)
    contrib = lax.dot_general(oh, h2, (((0,), (0,)), ((), ())),
                              preferred_element_type=jnp.float32)

    @pl.when(i == 0)
    def _():
        acc_ref[...] = jnp.zeros_like(acc_ref)

    acc_ref[...] += contrib

    @pl.when(i == NBLK - 1)
    def _():
        pre = acc_ref[...]
        z = (jnp.dot(pre, wo1h_ref[...], preferred_element_type=jnp.float32)
             + jnp.dot(encg_ref[...], wo1g_ref[...],
                       preferred_element_type=jnp.float32)
             + bo1_ref[...])
        z = jax.nn.softplus(z) - jnp.log(2.0)
        o2 = jnp.dot(z, wo2_ref[...], preferred_element_type=jnp.float32) \
            + bo2_ref[...]
        sel = (kind_ref[...] - 1 ==
               lax.broadcasted_iota(jnp.int32, (B, OUT_DIM), 1)
               ).astype(jnp.float32)
        o_ref[...] = jnp.sum(o2 * sel, axis=1, keepdims=True)


def _final(h, enc_pad, bat_rows, p, encg_pad, kind):
    row = lambda a: a.reshape(1, -1)
    args = (h, enc_pad, bat_rows,
            p['Wenc1'][:H], p['Wenc1'][H:], row(p['benc1']),
            p['Wenc2'], row(p['benc2']),
            encg_pad, p['Wo1'][:H],
            jnp.pad(p['Wo1'][H:], ((0, 4), (0, 0))), row(p['bo1']),
            p['Wo2'], row(p['bo2']), kind.reshape(B, 1).astype(jnp.int32))
    const = lambda shp: pl.BlockSpec(shp, lambda i: tuple(0 for _ in shp))
    return pl.pallas_call(
        _final_body,
        grid=(NBLK,),
        in_specs=[pl.BlockSpec((128, H), lambda i: (i, 0)),
                  pl.BlockSpec((128, 16), lambda i: (i, 0)),
                  pl.BlockSpec((128, 1), lambda i: (i, 0)),
                  const((H, H)), const((16, H)), const((1, H)),
                  const((H, H)), const((1, H)),
                  const((B, 8)), const((H, H)), const((8, H)),
                  const((1, H)), const((H, OUT_DIM)), const((1, OUT_DIM)),
                  const((B, 1))],
        out_specs=pl.BlockSpec((B, 1), lambda i: (0, 0)),
        out_shape=jax.ShapeDtypeStruct((B, 1), jnp.float32),
        scratch_shapes=[pltpu.VMEM((B, H), jnp.float32)],
    )(*args)


def kernel(protein_pos, protein_atom_feature, ligand_pos, ligand_atom_feature,
           batch_protein, batch_ligand, output_kind,
           enc_ligand_feature, enc_node_feature, enc_graph_feature, params):
    np_, nl = protein_pos.shape[0], ligand_pos.shape[0]
    pf = protein_atom_feature.shape[1]
    lf = ligand_atom_feature.shape[1] + enc_ligand_feature.shape[1]

    batch_all = jnp.concatenate([batch_protein, batch_ligand])
    order = jnp.argsort(batch_all, stable=True)
    batch_ctx = batch_all[order]
    pos = jnp.concatenate([protein_pos, ligand_pos], axis=0)[order]

    xp = jnp.concatenate([
        protein_atom_feature, jnp.zeros((np_, lf), jnp.float32),
        jnp.ones((np_, 1), jnp.float32), jnp.zeros((np_, 1), jnp.float32)],
        axis=1)
    xl = jnp.concatenate([
        jnp.zeros((nl, pf), jnp.float32), ligand_atom_feature,
        enc_ligand_feature,
        jnp.zeros((nl, 1), jnp.float32), jnp.ones((nl, 1), jnp.float32)],
        axis=1)
    x = jnp.concatenate([xp, xl], axis=0)[order]
    fdim = pf + lf + 2
    fpad = ((fdim + 7) // 8) * 8
    x = jnp.pad(x, ((0, NPAD - N_RAW), (0, fpad - fdim)))
    wcat = jnp.concatenate([
        params['Wp'], params['Wl'],
        params['bp'].reshape(1, H), params['bl'].reshape(1, H),
        jnp.zeros((fpad - fdim, H), jnp.float32)], axis=0)

    pos_pad = jnp.pad(pos, ((0, NPAD - N_RAW), (0, 8 - 3)))
    bat_pad = jnp.concatenate([
        batch_ctx.astype(jnp.int32),
        64 + jnp.arange(NPAD - N_RAW, dtype=jnp.int32)])
    pos_chunks = pos_pad.reshape(NCH, CW, 8).transpose(0, 2, 1)
    bat_chunks = bat_pad.reshape(NCH, 1, CW)
    bat_rows = bat_pad.reshape(NPAD, 1)

    blk = jnp.arange(NBLK)
    bmin = bat_pad[blk * 128]
    bmax = bat_pad[blk * 128 + 127]
    lo = jnp.searchsorted(bat_pad, bmin, side='left')
    hi = jnp.searchsorted(bat_pad, bmax, side='right')
    clo = (lo // CW).astype(jnp.int32)
    chi = ((hi - 1) // CW).astype(jnp.int32)

    h = _embed(x, wcat)
    idx16, d16 = _knn(pos_pad, pos_chunks, bat_chunks, bat_rows, clo, chi)
    idx_flat = idx16.reshape(K, NPAD).T.reshape(-1)
    d_flat = d16.reshape(K, NPAD).T.reshape(E_PAD, 1)

    for lw in params['enc_layers']:
        hs = _gather_rows(h, idx_flat)
        h = _layer(h, hs, d_flat, lw)

    enc_pad = jnp.pad(enc_node_feature, ((0, NPAD - N_RAW), (0, 0)))
    encg_pad = jnp.pad(enc_graph_feature, ((0, 0), (0, 4)))
    return _final(h, enc_pad, bat_rows, params, encg_pad, output_kind)

# --- scband reference (transcript-rebuilt; emitter-appended) ---
"""Pipeline reference for scband-prop-pred-net-enc-31765578121844 (READ-ONLY COPY).

The authoritative reference and input builder live on the scoring server;
editing this copy changes nothing except your own understanding.
"""

import jax, jax.numpy as jnp
import numpy as np

H = 128
NUM_RBF = 20
K = 16
CUTOFF = 10.0
NUM_LAYERS = 3
OUT_DIM = 2
B = 32
NP_ = 6000
NL_ = 600
PF = 27
LF = 13
ENC_L = 8
ENC_N = 16
ENC_G = 4


def _linear(x, W, b):
    return x @ W + b


def shifted_softplus(x):
    return jax.nn.softplus(x) - jnp.log(2.0)


def layer_norm(x, g, b, eps=1e-5):
    m = jnp.mean(x, axis=-1, keepdims=True)
    v = jnp.var(x, axis=-1, keepdims=True)
    return (x - m) / jnp.sqrt(v + eps) * g + b


def rbf_expand(d):
    offset = jnp.linspace(0.0, CUTOFF, NUM_RBF)
    coeff = -0.5 / (offset[1] - offset[0]) ** 2
    return jnp.exp(coeff * (d[:, None] - offset[None, :]) ** 2)


def knn_graph(pos, batch, k):
    pos = jax.lax.stop_gradient(pos)
    n = pos.shape[0]
    x2 = jnp.sum(pos * pos, axis=1)
    d2 = x2[:, None] + x2[None, :] - 2.0 * (pos @ pos.T)
    bad = (batch[:, None] != batch[None, :]) | jnp.eye(n, dtype=bool)
    d2 = jnp.where(bad, jnp.inf, d2)
    _, idx = jax.lax.top_k(-d2, k)
    dst = jnp.repeat(jnp.arange(n), k)
    src = idx.reshape(-1)
    return src, dst


def egnn_encoder(h, pos, batch, layers):
    src, dst = knn_graph(pos, batch, K)
    rel = pos[dst] - pos[src]
    d = jnp.sqrt(jnp.sum(rel * rel, axis=-1) + 1e-12)
    edge_feat = rbf_expand(d)
    cut_mask = (d <= CUTOFF).astype(h.dtype)[:, None]
    n = h.shape[0]
    for lp in layers:
        m = jnp.concatenate([h[dst], h[src], edge_feat], axis=-1)
        m = jax.nn.relu(_linear(m, lp['We1'], lp['be1']))
        m = jax.nn.relu(_linear(m, lp['We2'], lp['be2']))
        m = m * cut_mask
        agg = jnp.zeros((n, H), h.dtype).at[dst].add(m)
        u = jnp.concatenate([h, agg], axis=-1)
        u = jax.nn.relu(_linear(u, lp['Wn1'], lp['bn1']))
        u = _linear(u, lp['Wn2'], lp['bn2'])
        h = layer_norm(h + u, lp['ln_g'], lp['ln_b'])
    return h


def compose_context(h_p, h_l, pos_p, pos_l, b_p, b_l):
    batch_all = jnp.concatenate([b_p, b_l])
    order = jnp.argsort(batch_all)
    h = jnp.concatenate([h_p, h_l], axis=0)[order]
    pos = jnp.concatenate([pos_p, pos_l], axis=0)[order]
    return h, pos, batch_all[order]


def _init_params(key):
    def glorot(k, shape):
        return (jax.random.normal(k, shape) / np.sqrt(shape[0])).astype(jnp.float32)
    keys = jax.random.split(key, 64)
    it = iter(range(64))
    p = {
        'Wp': glorot(keys[next(it)], (PF, H)), 'bp': jnp.zeros((H,), jnp.float32),
        'Wl': glorot(keys[next(it)], (LF + ENC_L, H)), 'bl': jnp.zeros((H,), jnp.float32),
        'Wenc1': glorot(keys[next(it)], (H + ENC_N, H)), 'benc1': jnp.zeros((H,), jnp.float32),
        'Wenc2': glorot(keys[next(it)], (H, H)), 'benc2': jnp.zeros((H,), jnp.float32),
        'Wo1': glorot(keys[next(it)], (H + ENC_G, H)), 'bo1': jnp.zeros((H,), jnp.float32),
        'Wo2': glorot(keys[next(it)], (H, OUT_DIM)), 'bo2': jnp.zeros((OUT_DIM,), jnp.float32),
        'enc_layers': [],
    }
    for _ in range(NUM_LAYERS):
        p['enc_layers'].append({
            'We1': glorot(keys[next(it)], (2 * H + NUM_RBF, H)), 'be1': jnp.zeros((H,), jnp.float32),
            'We2': glorot(keys[next(it)], (H, H)), 'be2': jnp.zeros((H,), jnp.float32),
            'Wn1': glorot(keys[next(it)], (2 * H, H)), 'bn1': jnp.zeros((H,), jnp.float32),
            'Wn2': glorot(keys[next(it)], (H, H)), 'bn2': jnp.zeros((H,), jnp.float32),
            'ln_g': jnp.ones((H,), jnp.float32), 'ln_b': jnp.zeros((H,), jnp.float32),
        })
    return p


def setup_inputs(seed: int = 0):
    key = jax.random.key(seed)
    ks = jax.random.split(key, 16)
    return {
        'protein_pos': jax.random.normal(ks[0], (NP_, 3)) * 5.0,
        'protein_atom_feature': jax.random.normal(ks[1], (NP_, PF)),
        'ligand_pos': jax.random.normal(ks[2], (NL_, 3)) * 5.0,
        'ligand_atom_feature': jax.random.normal(ks[3], (NL_, LF)),
        'batch_protein': jnp.sort(jax.random.randint(ks[4], (NP_,), 0, B)),
        'batch_ligand': jnp.sort(jax.random.randint(ks[5], (NL_,), 0, B)),
        'output_kind': jnp.ones((B,), dtype=jnp.int32),
        'enc_ligand_feature': jax.random.normal(ks[6], (NL_, ENC_L)),
        'enc_node_feature': jax.random.normal(ks[7], (NP_ + NL_, ENC_N)),
        'enc_graph_feature': jax.random.normal(ks[8], (B, ENC_G)),
        'params': _init_params(ks[9]),
    }


def reference(protein_pos, protein_atom_feature, ligand_pos, ligand_atom_feature,
              batch_protein, batch_ligand, output_kind,
              enc_ligand_feature, enc_node_feature, enc_graph_feature, params):
    h_p = _linear(protein_atom_feature, params['Wp'], params['bp'])
    lig_feat = jnp.concatenate([ligand_atom_feature, enc_ligand_feature], axis=-1)
    h_l = _linear(lig_feat, params['Wl'], params['bl'])
    h, pos, batch_ctx = compose_context(h_p, h_l, protein_pos, ligand_pos, batch_protein, batch_ligand)
    h = egnn_encoder(h, pos, batch_ctx, params['enc_layers'])
    h = jnp.concatenate([h, enc_node_feature], axis=-1)
    h = jax.nn.relu(_linear(h, params['Wenc1'], params['benc1']))
    h = _linear(h, params['Wenc2'], params['benc2'])
    pre = jax.ops.segment_sum(h, batch_ctx, num_segments=B)
    pre = jnp.concatenate([pre, enc_graph_feature], axis=-1)
    out = shifted_softplus(_linear(pre, params['Wo1'], params['bo1']))
    out = _linear(out, params['Wo2'], params['bo2'])
    mask = jax.nn.one_hot(output_kind - 1, OUT_DIM, dtype=out.dtype)
    out = jnp.sum(out * mask, axis=-1, keepdims=True)
    return out

if __name__ == "__main__":
    import jax
    _d = setup_inputs()
    print(jax.jit(kernel)(*tuple(_d.values())))

</pallas_src>

<mosaic_0001>
#map = affine_map<(d0, d1) -> (0, 0)>
#map1 = affine_map<(d0, d1) -> (0)>
module attributes {stable_mosaic.version = 14 : i64} {
  func.func @gather(%arg0: i32, %arg1: i32, %arg2: memref<6656x128xf32, #tpu.memory_space<hbm>>, %arg3: memref<106496xi32, #tpu.memory_space<hbm>>, %arg4: memref<106496x128xf32, #tpu.memory_space<hbm>>, %arg5: memref<416xi32, #tpu.memory_space<vmem>>, %arg6: memref<416x128xf32, #tpu.memory_space<vmem>>, %arg7: memref<!tpu.dma_semaphore, #tpu.memory_space<semaphore_mem>>) attributes {dimension_semantics = [#tpu.dimension_semantics<core_parallel>, #tpu.dimension_semantics<subcore_parallel>], iteration_bounds = array<i64: 2, 16>, scalar_prefetch = 0 : i64, scratch_operands = 3 : i64, tpu.core_type = #tpu.core_type<sc_vector_subcore>, window_params = [{transform_indices = #map}, {transform_indices = #map1}, {transform_indices = #map}]} {
    %mul3A = arith.constant 2 : i32
    %mul3A_0 = arith.muli %arg1, %mul3A : i32
    %add3A = arith.addi %mul3A_0, %arg0 : i32
    %mul3A_1 = arith.constant 3328 : i32
    %mul3A_2 = arith.muli %add3A, %mul3A_1 : i32
    %scan3A = arith.constant 0 : i32
    %scan3A_3 = arith.constant 0 : i32
    %scan3A_4 = arith.constant 8 : i32
    %scan3A_5 = arith.addi %scan3A_3, %scan3A_4 : i32
    %scan3A_6 = arith.constant 1 : i32
    %scan3A_7 = scf.for %scan3A_9 = %scan3A_3 to %scan3A_5 step %scan3A_6 iter_args(%scan3A_10 = %scan3A) -> (i32)  : i32 {
      %mul3A_11 = arith.constant 416 : i32
      %mul3A_12 = arith.muli %scan3A_9, %mul3A_11 : i32
      %add3A_13 = arith.addi %mul3A_2, %mul3A_12 : i32
      "tpu.region"() ({
        %run_scoped3A = tpu.sem_alloc : memref<!tpu.dma_semaphore, #tpu.memory_space<semaphore_mem>>
        %dma_start3A_19 = tpu.memref_slice %arg3[%add3A_13] : memref<106496xi32, #tpu.memory_space<hbm>> -> memref<416xi32, #tpu.memory_space<hbm>>
        %dma_start3A_20 = tpu.memref_slice %arg3[%add3A_13] : memref<106496xi32, #tpu.memory_space<hbm>> -> memref<416xi32, #tpu.memory_space<hbm>>
        tpu.enqueue_dma source(%dma_start3A_20 : memref<416xi32, #tpu.memory_space<hbm>>) target(%arg5 : memref<416xi32, #tpu.memory_space<vmem>>) target_semaphore(%run_scoped3A : memref<!tpu.dma_semaphore, #tpu.memory_space<semaphore_mem>>)
        %dma_wait3A_21 = tpu.memref_slice %arg3[%add3A_13] : memref<106496xi32, #tpu.memory_space<hbm>> -> memref<416xi32, #tpu.memory_space<hbm>>
        %dma_wait3A_22 = tpu.memref_slice %arg3[%add3A_13] : memref<106496xi32, #tpu.memory_space<hbm>> -> memref<416xi32, #tpu.memory_space<hbm>>
        tpu.wait_dma2 semaphore(%run_scoped3A : memref<!tpu.dma_semaphore, #tpu.memory_space<semaphore_mem>>) src(%dma_wait3A_22 : memref<416xi32, #tpu.memory_space<hbm>>) dst(%arg5 : memref<416xi32, #tpu.memory_space<vmem>>)
        tpu.yield
      }) : () -> ()
      %dma_start3A = arith.constant 0 : i32
      %dma_start3A_14 = arith.constant 0 : i32
      %dma_start3A_15 = tpu.memref_slice %arg2[%dma_start3A, %dma_start3A_14] : memref<6656x128xf32, #tpu.memory_space<hbm>> -> memref<6656x128xf32, #tpu.memory_space<hbm>>
      tpu.enqueue_indirect_dma source(%dma_start3A_15 : memref<6656x128xf32, #tpu.memory_space<hbm>>) target(%arg6 : memref<416x128xf32, #tpu.memory_space<vmem>>) offsets(%arg5 : memref<416xi32, #tpu.memory_space<vmem>>) semaphore(%arg7 : memref<!tpu.dma_semaphore, #tpu.memory_space<semaphore_mem>>)
      %dma_wait3A = arith.constant 0 : i32
      %dma_wait3A_16 = arith.constant 0 : i32
      %dma_wait3A_17 = tpu.memref_slice %arg2[%dma_wait3A, %dma_wait3A_16] : memref<6656x128xf32, #tpu.memory_space<hbm>> -> memref<6656x128xf32, #tpu.memory_space<hbm>>
      tpu.wait_indirect_dma semaphore(%arg7 : memref<!tpu.dma_semaphore, #tpu.memory_space<semaphore_mem>>) src(%dma_wait3A_17 : memref<6656x128xf32, #tpu.memory_space<hbm>>) dst(%arg6 : memref<416x128xf32, #tpu.memory_space<vmem>>)
      "tpu.region"() ({
        %run_scoped3A = tpu.sem_alloc : memref<!tpu.dma_semaphore, #tpu.memory_space<semaphore_mem>>
        %dma_start3A_19 = arith.constant 0 : i32
        %dma_start3A_20 = tpu.memref_slice %arg4[%add3A_13, %dma_start3A_19] : memref<106496x128xf32, #tpu.memory_space<hbm>> -> memref<416x128xf32, #tpu.memory_space<hbm>>
        %dma_start3A_21 = arith.constant 0 : i32
        %dma_start3A_22 = tpu.memref_slice %arg4[%add3A_13, %dma_start3A_21] : memref<106496x128xf32, #tpu.memory_space<hbm>> -> memref<416x128xf32, #tpu.memory_space<hbm>>
        tpu.enqueue_dma source(%arg6 : memref<416x128xf32, #tpu.memory_space<vmem>>) target(%dma_start3A_22 : memref<416x128xf32, #tpu.memory_space<hbm>>) target_semaphore(%run_scoped3A : memref<!tpu.dma_semaphore, #tpu.memory_space<semaphore_mem>>)
        %dma_wait3A_23 = arith.constant 0 : i32
        %dma_wait3A_24 = tpu.memref_slice %arg4[%add3A_13, %dma_wait3A_23] : memref<106496x128xf32, #tpu.memory_space<hbm>> -> memref<416x128xf32, #tpu.memory_space<hbm>>
        %dma_wait3A_25 = arith.constant 0 : i32
        %dma_wait3A_26 = tpu.memref_slice %arg4[%add3A_13, %dma_wait3A_25] : memref<106496x128xf32, #tpu.memory_space<hbm>> -> memref<416x128xf32, #tpu.memory_space<hbm>>
        tpu.wait_dma2 semaphore(%run_scoped3A : memref<!tpu.dma_semaphore, #tpu.memory_space<semaphore_mem>>) src(%arg6 : memref<416x128xf32, #tpu.memory_space<vmem>>) dst(%dma_wait3A_26 : memref<416x128xf32, #tpu.memory_space<hbm>>)
        tpu.yield
      }) : () -> ()
      %scan3A_18 = arith.constant 0 : i32
      scf.yield %scan3A_18 : i32
    }
    %scan3A_8 = arith.constant 8 : i32
    return
  }
}

#map = affine_map<(d0, d1) -> (0, 0)>
#map1 = affine_map<(d0, d1) -> (0)>
module attributes {stable_mosaic.version = 14 : i64} {
  func.func @gather(%arg0: i32, %arg1: i32, %arg2: memref<6656x128xf32, #tpu.memory_space<hbm>>, %arg3: memref<106496xi32, #tpu.memory_space<hbm>>, %arg4: memref<106496x128xf32, #tpu.memory_space<hbm>>, %arg5: memref<416xi32, #tpu.memory_space<vmem>>, %arg6: memref<416x128xf32, #tpu.memory_space<vmem>>, %arg7: memref<!tpu.dma_semaphore, #tpu.memory_space<semaphore_mem>>) attributes {dimension_semantics = [#tpu.dimension_semantics<core_parallel>, #tpu.dimension_semantics<subcore_parallel>], iteration_bounds = array<i64: 2, 16>, scalar_prefetch = 0 : i64, scratch_operands = 3 : i64, tpu.core_type = #tpu.core_type<sc_vector_subcore>, window_params = [{transform_indices = #map}, {transform_indices = #map1}, {transform_indices = #map}]} {
    %mul3A = arith.constant 2 : i32
    %mul3A_0 = arith.muli %arg1, %mul3A : i32
    %add3A = arith.addi %mul3A_0, %arg0 : i32
    %mul3A_1 = arith.constant 3328 : i32
    %mul3A_2 = arith.muli %add3A, %mul3A_1 : i32
    %scan3A = arith.constant 0 : i32
    %scan3A_3 = arith.constant 0 : i32
    %scan3A_4 = arith.constant 8 : i32
    %scan3A_5 = arith.addi %scan3A_3, %scan3A_4 : i32
    %scan3A_6 = arith.constant 1 : i32
    %scan3A_7 = scf.for %scan3A_9 = %scan3A_3 to %scan3A_5 step %scan3A_6 iter_args(%scan3A_10 = %scan3A) -> (i32)  : i32 {
      %mul3A_11 = arith.constant 416 : i32
      %mul3A_12 = arith.muli %scan3A_9, %mul3A_11 : i32
      %add3A_13 = arith.addi %mul3A_2, %mul3A_12 : i32
      "tpu.region"() ({
        %run_scoped3A = tpu.sem_alloc : memref<!tpu.dma_semaphore, #tpu.memory_space<semaphore_mem>>
        %dma_start3A_19 = tpu.memref_slice %arg3[%add3A_13] : memref<106496xi32, #tpu.memory_space<hbm>> -> memref<416xi32, #tpu.memory_space<hbm>>
        %dma_start3A_20 = tpu.memref_slice %arg3[%add3A_13] : memref<106496xi32, #tpu.memory_space<hbm>> -> memref<416xi32, #tpu.memory_space<hbm>>
        tpu.enqueue_dma source(%dma_start3A_20 : memref<416xi32, #tpu.memory_space<hbm>>) target(%arg5 : memref<416xi32, #tpu.memory_space<vmem>>) target_semaphore(%run_scoped3A : memref<!tpu.dma_semaphore, #tpu.memory_space<semaphore_mem>>)
        %dma_wait3A_21 = tpu.memref_slice %arg3[%add3A_13] : memref<106496xi32, #tpu.memory_space<hbm>> -> memref<416xi32, #tpu.memory_space<hbm>>
        %dma_wait3A_22 = tpu.memref_slice %arg3[%add3A_13] : memref<106496xi32, #tpu.memory_space<hbm>> -> memref<416xi32, #tpu.memory_space<hbm>>
        tpu.wait_dma2 semaphore(%run_scoped3A : memref<!tpu.dma_semaphore, #tpu.memory_space<semaphore_mem>>) src(%dma_wait3A_22 : memref<416xi32, #tpu.memory_space<hbm>>) dst(%arg5 : memref<416xi32, #tpu.memory_space<vmem>>)
        tpu.yield
      }) : () -> ()
      %dma_start3A = arith.constant 0 : i32
      %dma_start3A_14 = arith.constant 0 : i32
      %dma_start3A_15 = tpu.memref_slice %arg2[%dma_start3A, %dma_start3A_14] : memref<6656x128xf32, #tpu.memory_space<hbm>> -> memref<6656x128xf32, #tpu.memory_space<hbm>>
      tpu.enqueue_indirect_dma source(%dma_start3A_15 : memref<6656x128xf32, #tpu.memory_space<hbm>>) target(%arg6 : memref<416x128xf32, #tpu.memory_space<vmem>>) offsets(%arg5 : memref<416xi32, #tpu.memory_space<vmem>>) semaphore(%arg7 : memref<!tpu.dma_semaphore, #tpu.memory_space<semaphore_mem>>)
      %dma_wait3A = arith.constant 0 : i32
      %dma_wait3A_16 = arith.constant 0 : i32
      %dma_wait3A_17 = tpu.memref_slice %arg2[%dma_wait3A, %dma_wait3A_16] : memref<6656x128xf32, #tpu.memory_space<hbm>> -> memref<6656x128xf32, #tpu.memory_space<hbm>>
      tpu.wait_indirect_dma semaphore(%arg7 : memref<!tpu.dma_semaphore, #tpu.memory_space<semaphore_mem>>) src(%dma_wait3A_17 : memref<6656x128xf32, #tpu.memory_space<hbm>>) dst(%arg6 : memref<416x128xf32, #tpu.memory_space<vmem>>)
      "tpu.region"() ({
        %run_scoped3A = tpu.sem_alloc : memref<!tpu.dma_semaphore, #tpu.memory_space<semaphore_mem>>
        %dma_start3A_19 = arith.constant 0 : i32
        %dma_start3A_20 = tpu.memref_slice %arg4[%add3A_13, %dma_start3A_19] : memref<106496x128xf32, #tpu.memory_space<hbm>> -> memref<416x128xf32, #tpu.memory_space<hbm>>
        %dma_start3A_21 = arith.constant 0 : i32
        %dma_start3A_22 = tpu.memref_slice %arg4[%add3A_13, %dma_start3A_21] : memref<106496x128xf32, #tpu.memory_space<hbm>> -> memref<416x128xf32, #tpu.memory_space<hbm>>
        tpu.enqueue_dma source(%arg6 : memref<416x128xf32, #tpu.memory_space<vmem>>) target(%dma_start3A_22 : memref<416x128xf32, #tpu.memory_space<hbm>>) target_semaphore(%run_scoped3A : memref<!tpu.dma_semaphore, #tpu.memory_space<semaphore_mem>>)
        %dma_wait3A_23 = arith.constant 0 : i32
        %dma_wait3A_24 = tpu.memref_slice %arg4[%add3A_13, %dma_wait3A_23] : memref<106496x128xf32, #tpu.memory_space<hbm>> -> memref<416x128xf32, #tpu.memory_space<hbm>>
        %dma_wait3A_25 = arith.constant 0 : i32
        %dma_wait3A_26 = tpu.memref_slice %arg4[%add3A_13, %dma_wait3A_25] : memref<106496x128xf32, #tpu.memory_space<hbm>> -> memref<416x128xf32, #tpu.memory_space<hbm>>
        tpu.wait_dma2 semaphore(%run_scoped3A : memref<!tpu.dma_semaphore, #tpu.memory_space<semaphore_mem>>) src(%arg6 : memref<416x128xf32, #tpu.memory_space<vmem>>) dst(%dma_wait3A_26 : memref<416x128xf32, #tpu.memory_space<hbm>>)
        tpu.yield
      }) : () -> ()
      %scan3A_18 = arith.constant 0 : i32
      scf.yield %scan3A_18 : i32
    }
    %scan3A_8 = arith.constant 8 : i32
    return
  }
}

#map = affine_map<(d0, d1) -> (0, 0)>
#map1 = affine_map<(d0, d1) -> (0)>
module attributes {stable_mosaic.version = 14 : i64} {
  func.func @gather(%arg0: i32, %arg1: i32, %arg2: memref<6656x128xf32, #tpu.memory_space<hbm>>, %arg3: memref<106496xi32, #tpu.memory_space<hbm>>, %arg4: memref<106496x128xf32, #tpu.memory_space<hbm>>, %arg5: memref<416xi32, #tpu.memory_space<vmem>>, %arg6: memref<416x128xf32, #tpu.memory_space<vmem>>, %arg7: memref<!tpu.dma_semaphore, #tpu.memory_space<semaphore_mem>>) attributes {dimension_semantics = [#tpu.dimension_semantics<core_parallel>, #tpu.dimension_semantics<subcore_parallel>], iteration_bounds = array<i64: 2, 16>, scalar_prefetch = 0 : i64, scratch_operands = 3 : i64, tpu.core_type = #tpu.core_type<sc_vector_subcore>, window_params = [{transform_indices = #map}, {transform_indices = #map1}, {transform_indices = #map}]} {
    %mul3A = arith.constant 2 : i32
    %mul3A_0 = arith.muli %arg1, %mul3A : i32
    %add3A = arith.addi %mul3A_0, %arg0 : i32
    %mul3A_1 = arith.constant 3328 : i32
    %mul3A_2 = arith.muli %add3A, %mul3A_1 : i32
    %scan3A = arith.constant 0 : i32
    %scan3A_3 = arith.constant 0 : i32
    %scan3A_4 = arith.constant 8 : i32
    %scan3A_5 = arith.addi %scan3A_3, %scan3A_4 : i32
    %scan3A_6 = arith.constant 1 : i32
    %scan3A_7 = scf.for %scan3A_9 = %scan3A_3 to %scan3A_5 step %scan3A_6 iter_args(%scan3A_10 = %scan3A) -> (i32)  : i32 {
      %mul3A_11 = arith.constant 416 : i32
      %mul3A_12 = arith.muli %scan3A_9, %mul3A_11 : i32
      %add3A_13 = arith.addi %mul3A_2, %mul3A_12 : i32
      "tpu.region"() ({
        %run_scoped3A = tpu.sem_alloc : memref<!tpu.dma_semaphore, #tpu.memory_space<semaphore_mem>>
        %dma_start3A_19 = tpu.memref_slice %arg3[%add3A_13] : memref<106496xi32, #tpu.memory_space<hbm>> -> memref<416xi32, #tpu.memory_space<hbm>>
        %dma_start3A_20 = tpu.memref_slice %arg3[%add3A_13] : memref<106496xi32, #tpu.memory_space<hbm>> -> memref<416xi32, #tpu.memory_space<hbm>>
        tpu.enqueue_dma source(%dma_start3A_20 : memref<416xi32, #tpu.memory_space<hbm>>) target(%arg5 : memref<416xi32, #tpu.memory_space<vmem>>) target_semaphore(%run_scoped3A : memref<!tpu.dma_semaphore, #tpu.memory_space<semaphore_mem>>)
        %dma_wait3A_21 = tpu.memref_slice %arg3[%add3A_13] : memref<106496xi32, #tpu.memory_space<hbm>> -> memref<416xi32, #tpu.memory_space<hbm>>
        %dma_wait3A_22 = tpu.memref_slice %arg3[%add3A_13] : memref<106496xi32, #tpu.memory_space<hbm>> -> memref<416xi32, #tpu.memory_space<hbm>>
        tpu.wait_dma2 semaphore(%run_scoped3A : memref<!tpu.dma_semaphore, #tpu.memory_space<semaphore_mem>>) src(%dma_wait3A_22 : memref<416xi32, #tpu.memory_space<hbm>>) dst(%arg5 : memref<416xi32, #tpu.memory_space<vmem>>)
        tpu.yield
      }) : () -> ()
      %dma_start3A = arith.constant 0 : i32
      %dma_start3A_14 = arith.constant 0 : i32
      %dma_start3A_15 = tpu.memref_slice %arg2[%dma_start3A, %dma_start3A_14] : memref<6656x128xf32, #tpu.memory_space<hbm>> -> memref<6656x128xf32, #tpu.memory_space<hbm>>
      tpu.enqueue_indirect_dma source(%dma_start3A_15 : memref<6656x128xf32, #tpu.memory_space<hbm>>) target(%arg6 : memref<416x128xf32, #tpu.memory_space<vmem>>) offsets(%arg5 : memref<416xi32, #tpu.memory_space<vmem>>) semaphore(%arg7 : memref<!tpu.dma_semaphore, #tpu.memory_space<semaphore_mem>>)
      %dma_wait3A = arith.constant 0 : i32
      %dma_wait3A_16 = arith.constant 0 : i32
      %dma_wait3A_17 = tpu.memref_slice %arg2[%dma_wait3A, %dma_wait3A_16] : memref<6656x128xf32, #tpu.memory_space<hbm>> -> memref<6656x128xf32, #tpu.memory_space<hbm>>
      tpu.wait_indirect_dma semaphore(%arg7 : memref<!tpu.dma_semaphore, #tpu.memory_space<semaphore_mem>>) src(%dma_wait3A_17 : memref<6656x128xf32, #tpu.memory_space<hbm>>) dst(%arg6 : memref<416x128xf32, #tpu.memory_space<vmem>>)
      "tpu.region"() ({
        %run_scoped3A = tpu.sem_alloc : memref<!tpu.dma_semaphore, #tpu.memory_space<semaphore_mem>>
        %dma_start3A_19 = arith.constant 0 : i32
        %dma_start3A_20 = tpu.memref_slice %arg4[%add3A_13, %dma_start3A_19] : memref<106496x128xf32, #tpu.memory_space<hbm>> -> memref<416x128xf32, #tpu.memory_space<hbm>>
        %dma_start3A_21 = arith.constant 0 : i32
        %dma_start3A_22 = tpu.memref_slice %arg4[%add3A_13, %dma_start3A_21] : memref<106496x128xf32, #tpu.memory_space<hbm>> -> memref<416x128xf32, #tpu.memory_space<hbm>>
        tpu.enqueue_dma source(%arg6 : memref<416x128xf32, #tpu.memory_space<vmem>>) target(%dma_start3A_22 : memref<416x128xf32, #tpu.memory_space<hbm>>) target_semaphore(%run_scoped3A : memref<!tpu.dma_semaphore, #tpu.memory_space<semaphore_mem>>)
        %dma_wait3A_23 = arith.constant 0 : i32
        %dma_wait3A_24 = tpu.memref_slice %arg4[%add3A_13, %dma_wait3A_23] : memref<106496x128xf32, #tpu.memory_space<hbm>> -> memref<416x128xf32, #tpu.memory_space<hbm>>
        %dma_wait3A_25 = arith.constant 0 : i32
        %dma_wait3A_26 = tpu.memref_slice %arg4[%add3A_13, %dma_wait3A_25] : memref<106496x128xf32, #tpu.memory_space<hbm>> -> memref<416x128xf32, #tpu.memory_space<hbm>>
        tpu.wait_dma2 semaphore(%run_scoped3A : memref<!tpu.dma_semaphore, #tpu.memory_space<semaphore_mem>>) src(%arg6 : memref<416x128xf32, #tpu.memory_space<vmem>>) dst(%dma_wait3A_26 : memref<416x128xf32, #tpu.memory_space<hbm>>)
        tpu.yield
      }) : () -> ()
      %scan3A_18 = arith.constant 0 : i32
      scf.yield %scan3A_18 : i32
    }
    %scan3A_8 = arith.constant 8 : i32
    return
  }
}

module attributes {stable_mosaic.version = 14 : i64} {
  func.func @_knn_body(%arg0: i32, %arg1: memref<52xi32, #tpu.memory_space<smem>>, %arg2: memref<52xi32, #tpu.memory_space<smem>>, %arg3: memref<128x8xf32, #tpu.memory_space<vmem>>, %arg4: memref<13x8x512xf32, #tpu.memory_space<vmem>>, %arg5: memref<13x1x512xi32, #tpu.memory_space<vmem>>, %arg6: memref<128x1xi32, #tpu.memory_space<vmem>>, %arg7: memref<16x128x1xi32, #tpu.memory_space<vmem>>, %arg8: memref<16x128x1xf32, #tpu.memory_space<vmem>>, %arg9: memref<13x128x512xi32, #tpu.memory_space<vmem>>, %arg10: memref<13x128x512xf32, #tpu.memory_space<vmem>>) attributes {dimension_semantics = [#tpu.dimension_semantics<arbitrary>], iteration_bounds = array<i64: 52>, scalar_prefetch = 0 : i64, scratch_operands = 2 : i64, tpu.core_type = #tpu.core_type<tc>, window_params = [{transform_indices = @transform_0, window_bounds = array<i64: 52>}, {transform_indices = @transform_1, window_bounds = array<i64: 52>}, {transform_indices = @transform_2, window_bounds = array<i64: 128, 8>}, {pipeline_mode = #tpu.pipeline_mode<synchronous>, transform_indices = @transform_3, window_bounds = array<i64: 13, 8, 512>}, {pipeline_mode = #tpu.pipeline_mode<synchronous>, transform_indices = @transform_4, window_bounds = array<i64: 13, 1, 512>}, {transform_indices = @transform_5, window_bounds = array<i64: 128, 1>}, {transform_indices = @transform_6, window_bounds = array<i64: 16, 128, 1>}, {transform_indices = @transform_7, window_bounds = array<i64: 16, 128, 1>}]} {
    %get3A = arith.index_cast %arg0 : i32 to index
    %get3A_0 = memref.load %arg1[%get3A] : memref<52xi32, #tpu.memory_space<smem>>
    %get3A_1 = arith.index_cast %arg0 : i32 to index
    %get3A_2 = memref.load %arg2[%get3A_1] : memref<52xi32, #tpu.memory_space<smem>>
    %get3A_3 = arith.constant 0 : index
    %get3A_4 = arith.constant 0 : index
    %get3A_5 = vector.load %arg3[%get3A_3, %get3A_4] : memref<128x8xf32, #tpu.memory_space<vmem>>, vector<128x8xf32>
    %mul3A = arith.mulf %get3A_5, %get3A_5 : vector<128x8xf32>
    %reduce_sum3A = arith.constant dense<0.000000e+00> : vector<128xf32>
    %reduce_sum3A_6 = vector.multi_reduction <add>, %mul3A, %reduce_sum3A [1] : vector<128x8xf32> to vector<128xf32>
    %broadcast_in_dim3A = vector.shape_cast %reduce_sum3A_6 : vector<128xf32> to vector<128x1xf32>
    %get3A_7 = arith.constant 0 : index
    %get3A_8 = arith.constant 0 : index
    %get3A_9 = vector.load %arg6[%get3A_7, %get3A_8] : memref<128x1xi32, #tpu.memory_space<vmem>>, vector<128x1xi32>
    %mul3A_10 = arith.constant 128 : i32
    %mul3A_11 = arith.muli %arg0, %mul3A_10 : i32
    %iota3A = tpu.iota {dimensions = array<i32: 0>} : vector<128x1xi32>
    %add3A = vector.broadcast %mul3A_11 : i32 to vector<128x1xi32>
    %add3A_12 = arith.addi %add3A, %iota3A : vector<128x1xi32>
    %add3A_13 = arith.constant 1 : i32
    %add3A_14 = arith.addi %get3A_2, %add3A_13 : i32
    %while3A = arith.constant 0 : i32
    %while3A_15 = arith.subi %add3A_14, %get3A_0 : i32
    %while3A_16 = arith.addi %get3A_0, %while3A_15 : i32
    %while3A_17 = arith.constant 1 : i32
    %while3A_18 = arith.divsi %while3A_15, %while3A_17 : i32
    %while3A_19 = arith.muli %while3A_18, %while3A_17 : i32
    %while3A_20 = arith.addi %get3A_0, %while3A_19 : i32
    %while3A_21 = arith.constant 1 : i32
    %while3A_22 = scf.for %while3A_33 = %get3A_0 to %while3A_20 step %while3A_21 iter_args(%while3A_34 = %while3A) -> (i32)  : i32 {
      %get3A_35 = arith.index_cast %while3A_33 : i32 to index
      %get3A_36 = arith.constant 0 : index
      %get3A_37 = arith.constant 0 : index
      %get3A_38 = vector.load %arg4[%get3A_35, %get3A_36, %get3A_37] : memref<13x8x512xf32, #tpu.memory_space<vmem>>, vector<1x8x512xf32>
      %get3A_39 = vector.shape_cast %get3A_38 : vector<1x8x512xf32> to vector<8x512xf32>
      %mul3A_40 = arith.mulf %get3A_39, %get3A_39 : vector<8x512xf32>
      %reduce_sum3A_41 = arith.constant dense<0.000000e+00> : vector<512xf32>
      %reduce_sum3A_42 = vector.multi_reduction <add>, %mul3A_40, %reduce_sum3A_41 [0] : vector<8x512xf32> to vector<512xf32>
      %broadcast_in_dim3A_43 = vector.shape_cast %reduce_sum3A_42 : vector<512xf32> to vector<1x512xf32>
      %dot_general3A = arith.constant dense<0.000000e+00> : vector<128x512xf32>
      %dot_general3A_44 = tpu.matmul %get3A_5, %get3A_39, %dot_general3A {dimension_numbers = #tpu.dot_dimension_numbers<[1], [0], [0], [1], [0, 0, 1, 1], [], []>, transpose_lhs_hint = false} : vector<128x8xf32>, vector<8x512xf32>, vector<128x512xf32> -> vector<128x512xf32>
      %add3A_45 = vector.broadcast %broadcast_in_dim3A : vector<128x1xf32> to vector<128x512xf32>
      %add3A_46 = vector.broadcast %broadcast_in_dim3A_43 : vector<1x512xf32> to vector<128x512xf32>
      %add3A_47 = arith.addf %add3A_45, %add3A_46 : vector<128x512xf32>
      %mul3A_48 = arith.constant 2.000000e+00 : f32
      %mul3A_49 = vector.broadcast %mul3A_48 : f32 to vector<128x512xf32>
      %mul3A_50 = arith.mulf %mul3A_49, %dot_general3A_44 : vector<128x512xf32>
      %sub3A = arith.subf %add3A_47, %mul3A_50 : vector<128x512xf32>
      %max3A = arith.constant 0.000000e+00 : f32
      %max3A_51 = vector.broadcast %max3A : f32 to vector<128x512xf32>
      %max3A_52 = arith.maximumf %sub3A, %max3A_51 : vector<128x512xf32>
      %get3A_53 = arith.index_cast %while3A_33 : i32 to index
      %get3A_54 = arith.constant 0 : index
      %get3A_55 = arith.constant 0 : index
      %get3A_56 = vector.load %arg5[%get3A_53, %get3A_54, %get3A_55] : memref<13x1x512xi32, #tpu.memory_space<vmem>>, vector<1x1x512xi32>
      %get3A_57 = vector.shape_cast %get3A_56 : vector<1x1x512xi32> to vector<1x512xi32>
      %mul3A_58 = arith.constant 512 : i32
      %mul3A_59 = arith.muli %while3A_33, %mul3A_58 : i32
      %iota3A_60 = tpu.iota {dimensions = array<i32: 1>} : vector<128x512xi32>
      %add3A_61 = vector.broadcast %mul3A_59 : i32 to vector<128x512xi32>
      %add3A_62 = arith.addi %add3A_61, %iota3A_60 : vector<128x512xi32>
      %ne3A = vector.broadcast %get3A_57 : vector<1x512xi32> to vector<128x512xi32>
      %ne3A_63 = vector.broadcast %get3A_9 : vector<128x1xi32> to vector<128x512xi32>
      %ne3A_64 = arith.cmpi ne, %ne3A, %ne3A_63 : vector<128x512xi32>
      %eq3A = vector.broadcast %add3A_12 : vector<128x1xi32> to vector<128x512xi32>
      %eq3A_65 = arith.cmpi eq, %add3A_62, %eq3A : vector<128x512xi32>
      %or3A = arith.ori %ne3A_64, %eq3A_65 : vector<128x512xi1>
      %jit3A = arith.constant 0x7F800000 : f32
      %broadcast_in_dim3A_66 = vector.broadcast %jit3A : f32 to vector<128x512xf32>
      %select_n3A = arith.select %or3A, %broadcast_in_dim3A_66, %max3A_52 : vector<128x512xi1>, vector<128x512xf32>
      %bitcast_convert_type3A = tpu.bitcast %select_n3A : vector<128x512xf32> -> vector<128x512xi32>
      %and3A = arith.constant -8192 : i32
      %and3A_67 = vector.broadcast %and3A : i32 to vector<128x512xi32>
      %and3A_68 = arith.andi %bitcast_convert_type3A, %and3A_67 : vector<128x512xi32>
      %or3A_69 = arith.ori %and3A_68, %add3A_62 : vector<128x512xi32>
      %swap3A = arith.index_cast %while3A_33 : i32 to index
      %swap3A_70 = arith.constant 0 : index
      %swap3A_71 = arith.constant 0 : index
      %swap3A_72 = vector.load %arg9[%swap3A, %swap3A_70, %swap3A_71] : memref<13x128x512xi32, #tpu.memory_space<vmem>>, vector<1x128x512xi32>
      %swap3A_73 = vector.shape_cast %swap3A_72 : vector<1x128x512xi32> to vector<128x512xi32>
      %swap3A_74 = vector.shape_cast %or3A_69 : vector<128x512xi32> to vector<1x128x512xi32>
      tpu.vector_store %arg9[%swap3A, %swap3A_70, %swap3A_71], %swap3A_74 {strides = array<i32>} : memref<13x128x512xi32, #tpu.memory_space<vmem>>, vector<1x128x512xi32>,
      %swap3A_75 = arith.index_cast %while3A_33 : i32 to index
      %swap3A_76 = arith.constant 0 : index
      %swap3A_77 = arith.constant 0 : index
      %swap3A_78 = vector.load %arg10[%swap3A_75, %swap3A_76, %swap3A_77] : memref<13x128x512xf32, #tpu.memory_space<vmem>>, vector<1x128x512xf32>
      %swap3A_79 = vector.shape_cast %swap3A_78 : vector<1x128x512xf32> to vector<128x512xf32>
      %swap3A_80 = vector.shape_cast %select_n3A : vector<128x512xf32> to vector<1x128x512xf32>
      tpu.vector_store %arg10[%swap3A_75, %swap3A_76, %swap3A_77], %swap3A_80 {strides = array<i32>} : memref<13x128x512xf32, #tpu.memory_space<vmem>>, vector<1x128x512xf32>,
      %while3A_81 = arith.constant 0 : i32
      scf.yield %while3A_81 : i32
    }
    %while3A_23 = arith.constant 1 : i32
    %while3A_24 = scf.for %while3A_33 = %while3A_20 to %while3A_16 step %while3A_23 iter_args(%while3A_34 = %while3A_22) -> (i32)  : i32 {
      %get3A_35 = arith.index_cast %while3A_33 : i32 to index
      %get3A_36 = arith.constant 0 : index
      %get3A_37 = arith.constant 0 : index
      %get3A_38 = vector.load %arg4[%get3A_35, %get3A_36, %get3A_37] : memref<13x8x512xf32, #tpu.memory_space<vmem>>, vector<1x8x512xf32>
      %get3A_39 = vector.shape_cast %get3A_38 : vector<1x8x512xf32> to vector<8x512xf32>
      %mul3A_40 = arith.mulf %get3A_39, %get3A_39 : vector<8x512xf32>
      %reduce_sum3A_41 = arith.constant dense<0.000000e+00> : vector<512xf32>
      %reduce_sum3A_42 = vector.multi_reduction <add>, %mul3A_40, %reduce_sum3A_41 [0] : vector<8x512xf32> to vector<512xf32>
      %broadcast_in_dim3A_43 = vector.shape_cast %reduce_sum3A_42 : vector<512xf32> to vector<1x512xf32>
      %dot_general3A = arith.constant dense<0.000000e+00> : vector<128x512xf32>
      %dot_general3A_44 = tpu.matmul %get3A_5, %get3A_39, %dot_general3A {dimension_numbers = #tpu.dot_dimension_numbers<[1], [0], [0], [1], [0, 0, 1, 1], [], []>, transpose_lhs_hint = false} : vector<128x8xf32>, vector<8x512xf32>, vector<128x512xf32> -> vector<128x512xf32>
      %add3A_45 = vector.broadcast %broadcast_in_dim3A : vector<128x1xf32> to vector<128x512xf32>
      %add3A_46 = vector.broadcast %broadcast_in_dim3A_43 : vector<1x512xf32> to vector<128x512xf32>
      %add3A_47 = arith.addf %add3A_45, %add3A_46 : vector<128x512xf32>
      %mul3A_48 = arith.constant 2.000000e+00 : f32
      %mul3A_49 = vector.broadcast %mul3A_48 : f32 to vector<128x512xf32>
      %mul3A_50 = arith.mulf %mul3A_49, %dot_general3A_44 : vector<128x512xf32>
      %sub3A = arith.subf %add3A_47, %mul3A_50 : vector<128x512xf32>
      %max3A = arith.constant 0.000000e+00 : f32
      %max3A_51 = vector.broadcast %max3A : f32 to vector<128x512xf32>
      %max3A_52 = arith.maximumf %sub3A, %max3A_51 : vector<128x512xf32>
      %get3A_53 = arith.index_cast %while3A_33 : i32 to index
      %get3A_54 = arith.constant 0 : index
      %get3A_55 = arith.constant 0 : index
      %get3A_56 = vector.load %arg5[%get3A_53, %get3A_54, %get3A_55] : memref<13x1x512xi32, #tpu.memory_space<vmem>>, vector<1x1x512xi32>
      %get3A_57 = vector.shape_cast %get3A_56 : vector<1x1x512xi32> to vector<1x512xi32>
      %mul3A_58 = arith.constant 512 : i32
      %mul3A_59 = arith.muli %while3A_33, %mul3A_58 : i32
      %iota3A_60 = tpu.iota {dimensions = array<i32: 1>} : vector<128x512xi32>
      %add3A_61 = vector.broadcast %mul3A_59 : i32 to vector<128x512xi32>
      %add3A_62 = arith.addi %add3A_61, %iota3A_60 : vector<128x512xi32>
      %ne3A = vector.broadcast %get3A_57 : vector<1x512xi32> to vector<128x512xi32>
      %ne3A_63 = vector.broadcast %get3A_9 : vector<128x1xi32> to vector<128x512xi32>
      %ne3A_64 = arith.cmpi ne, %ne3A, %ne3A_63 : vector<128x512xi32>
      %eq3A = vector.broadcast %add3A_12 : vector<128x1xi32> to vector<128x512xi32>
      %eq3A_65 = arith.cmpi eq, %add3A_62, %eq3A : vector<128x512xi32>
      %or3A = arith.ori %ne3A_64, %eq3A_65 : vector<128x512xi1>
      %jit3A = arith.constant 0x7F800000 : f32
      %broadcast_in_dim3A_66 = vector.broadcast %jit3A : f32 to vector<128x512xf32>
      %select_n3A = arith.select %or3A, %broadcast_in_dim3A_66, %max3A_52 : vector<128x512xi1>, vector<128x512xf32>
      %bitcast_convert_type3A = tpu.bitcast %select_n3A : vector<128x512xf32> -> vector<128x512xi32>
      %and3A = arith.constant -8192 : i32
      %and3A_67 = vector.broadcast %and3A : i32 to vector<128x512xi32>
      %and3A_68 = arith.andi %bitcast_convert_type3A, %and3A_67 : vector<128x512xi32>
      %or3A_69 = arith.ori %and3A_68, %add3A_62 : vector<128x512xi32>
      %swap3A = arith.index_cast %while3A_33 : i32 to index
      %swap3A_70 = arith.constant 0 : index
      %swap3A_71 = arith.constant 0 : index
      %swap3A_72 = vector.load %arg9[%swap3A, %swap3A_70, %swap3A_71] : memref<13x128x512xi32, #tpu.memory_space<vmem>>, vector<1x128x512xi32>
      %swap3A_73 = vector.shape_cast %swap3A_72 : vector<1x128x512xi32> to vector<128x512xi32>
      %swap3A_74 = vector.shape_cast %or3A_69 : vector<128x512xi32> to vector<1x128x512xi32>
      tpu.vector_store %arg9[%swap3A, %swap3A_70, %swap3A_71], %swap3A_74 {strides = array<i32>} : memref<13x128x512xi32, #tpu.memory_space<vmem>>, vector<1x128x512xi32>,
      %swap3A_75 = arith.index_cast %while3A_33 : i32 to index
      %swap3A_76 = arith.constant 0 : index
      %swap3A_77 = arith.constant 0 : index
      %swap3A_78 = vector.load %arg10[%swap3A_75, %swap3A_76, %swap3A_77] : memref<13x128x512xf32, #tpu.memory_space<vmem>>, vector<1x128x512xf32>
      %swap3A_79 = vector.shape_cast %swap3A_78 : vector<1x128x512xf32> to vector<128x512xf32>
      %swap3A_80 = vector.shape_cast %select_n3A : vector<128x512xf32> to vector<1x128x512xf32>
      tpu.vector_store %arg10[%swap3A_75, %swap3A_76, %swap3A_77], %swap3A_80 {strides = array<i32>} : memref<13x128x512xf32, #tpu.memory_space<vmem>>, vector<1x128x512xf32>,
      %while3A_81 = arith.constant 0 : i32
      scf.yield %while3A_81 : i32
    }
    %broadcast_in_dim3A_25 = arith.constant -2147483648 : i32
    %broadcast_in_dim3A_26 = vector.broadcast %broadcast_in_dim3A_25 : i32 to vector<128x1xi32>
    %scan3A = arith.constant 2147483647 : i32
    %scan3A_27 = arith.constant 0 : i32
    %scan3A_28 = arith.constant 16 : i32
    %scan3A_29 = arith.addi %scan3A_27, %scan3A_28 : i32
    %scan3A_30 = arith.constant 1 : i32
    %scan3A_31 = scf.for %scan3A_33 = %scan3A_27 to %scan3A_29 step %scan3A_30 iter_args(%scan3A_34 = %broadcast_in_dim3A_26) -> (vector<128x1xi32>)  : i32 {
      %broadcast_in_dim3A_35 = vector.broadcast %scan3A : i32 to vector<128x1xi32>
      %add3A_36 = arith.constant 1 : i32
      %add3A_37 = arith.addi %get3A_2, %add3A_36 : i32
      %while3A_38 = arith.subi %add3A_37, %get3A_0 : i32
      %while3A_39 = arith.addi %get3A_0, %while3A_38 : i32
      %while3A_40 = arith.constant 1 : i32
      %while3A_41 = arith.divsi %while3A_38, %while3A_40 : i32
      %while3A_42 = arith.muli %while3A_41, %while3A_40 : i32
      %while3A_43 = arith.addi %get3A_0, %while3A_42 : i32
      %while3A_44 = arith.constant 1 : i32
      %while3A_45 = scf.for %while3A_82 = %get3A_0 to %while3A_43 step %while3A_44 iter_args(%while3A_83 = %broadcast_in_dim3A_35) -> (vector<128x1xi32>)  : i32 {
        %get3A_84 = arith.index_cast %while3A_82 : i32 to index
        %get3A_85 = arith.constant 0 : index
        %get3A_86 = arith.constant 0 : index
        %get3A_87 = vector.load %arg9[%get3A_84, %get3A_85, %get3A_86] : memref<13x128x512xi32, #tpu.memory_space<vmem>>, vector<1x128x512xi32>
        %get3A_88 = vector.shape_cast %get3A_87 : vector<1x128x512xi32> to vector<128x512xi32>
        %gt3A = vector.broadcast %scan3A_34 : vector<128x1xi32> to vector<128x512xi32>
        %gt3A_89 = arith.cmpi sgt, %get3A_88, %gt3A : vector<128x512xi32>
        %broadcast_in_dim3A_90 = vector.broadcast %scan3A : i32 to vector<128x512xi32>
        %select_n3A = arith.select %gt3A_89, %get3A_88, %broadcast_in_dim3A_90 : vector<128x512xi1>, vector<128x512xi32>
        %reduce_min3A = arith.constant dense<2147483647> : vector<128xi32>
        %reduce_min3A_91 = vector.multi_reduction <minsi>, %select_n3A, %reduce_min3A [1] : vector<128x512xi32> to vector<128xi32>
        %broadcast_in_dim3A_92 = vector.shape_cast %reduce_min3A_91 : vector<128xi32> to vector<128x1xi32>
        %min3A_93 = arith.minsi %while3A_83, %broadcast_in_dim3A_92 : vector<128x1xi32>
        scf.yield %min3A_93 : vector<128x1xi32>
      }
      %while3A_46 = arith.constant 1 : i32
      %while3A_47 = scf.for %while3A_82 = %while3A_43 to %while3A_39 step %while3A_46 iter_args(%while3A_83 = %while3A_45) -> (vector<128x1xi32>)  : i32 {
        %get3A_84 = arith.index_cast %while3A_82 : i32 to index
        %get3A_85 = arith.constant 0 : index
        %get3A_86 = arith.constant 0 : index
        %get3A_87 = vector.load %arg9[%get3A_84, %get3A_85, %get3A_86] : memref<13x128x512xi32, #tpu.memory_space<vmem>>, vector<1x128x512xi32>
        %get3A_88 = vector.shape_cast %get3A_87 : vector<1x128x512xi32> to vector<128x512xi32>
        %gt3A = vector.broadcast %scan3A_34 : vector<128x1xi32> to vector<128x512xi32>
        %gt3A_89 = arith.cmpi sgt, %get3A_88, %gt3A : vector<128x512xi32>
        %broadcast_in_dim3A_90 = vector.broadcast %scan3A : i32 to vector<128x512xi32>
        %select_n3A = arith.select %gt3A_89, %get3A_88, %broadcast_in_dim3A_90 : vector<128x512xi1>, vector<128x512xi32>
        %reduce_min3A = arith.constant dense<2147483647> : vector<128xi32>
        %reduce_min3A_91 = vector.multi_reduction <minsi>, %select_n3A, %reduce_min3A [1] : vector<128x512xi32> to vector<128xi32>
        %broadcast_in_dim3A_92 = vector.shape_cast %reduce_min3A_91 : vector<128xi32> to vector<128x1xi32>
        %min3A_93 = arith.minsi %while3A_83, %broadcast_in_dim3A_92 : vector<128x1xi32>
        scf.yield %min3A_93 : vector<128x1xi32>
      }
      %broadcast_in_dim3A_48 = arith.constant 0x7F800000 : f32
      %broadcast_in_dim3A_49 = vector.broadcast %broadcast_in_dim3A_48 : f32 to vector<128x1xf32>
      %add3A_50 = arith.constant 1 : i32
      %add3A_51 = arith.addi %get3A_2, %add3A_50 : i32
      %while3A_52 = arith.subi %add3A_51, %get3A_0 : i32
      %while3A_53 = arith.addi %get3A_0, %while3A_52 : i32
      %while3A_54 = arith.constant 1 : i32
      %while3A_55 = arith.divsi %while3A_52, %while3A_54 : i32
      %while3A_56 = arith.muli %while3A_55, %while3A_54 : i32
      %while3A_57 = arith.addi %get3A_0, %while3A_56 : i32
      %while3A_58 = arith.constant 1 : i32
      %while3A_59 = scf.for %while3A_82 = %get3A_0 to %while3A_57 step %while3A_58 iter_args(%while3A_83 = %broadcast_in_dim3A_49) -> (vector<128x1xf32>)  : i32 {
        %get3A_84 = arith.index_cast %while3A_82 : i32 to index
        %get3A_85 = arith.constant 0 : index
        %get3A_86 = arith.constant 0 : index
        %get3A_87 = vector.load %arg9[%get3A_84, %get3A_85, %get3A_86] : memref<13x128x512xi32, #tpu.memory_space<vmem>>, vector<1x128x512xi32>
        %get3A_88 = vector.shape_cast %get3A_87 : vector<1x128x512xi32> to vector<128x512xi32>
        %eq3A = vector.broadcast %while3A_47 : vector<128x1xi32> to vector<128x512xi32>
        %eq3A_89 = arith.cmpi eq, %get3A_88, %eq3A : vector<128x512xi32>
        %get3A_90 = arith.index_cast %while3A_82 : i32 to index
        %get3A_91 = arith.constant 0 : index
        %get3A_92 = arith.constant 0 : index
        %get3A_93 = vector.load %arg10[%get3A_90, %get3A_91, %get3A_92] : memref<13x128x512xf32, #tpu.memory_space<vmem>>, vector<1x128x512xf32>
        %get3A_94 = vector.shape_cast %get3A_93 : vector<1x128x512xf32> to vector<128x512xf32>
        %jit3A = arith.constant 0x7F800000 : f32
        %broadcast_in_dim3A_95 = vector.broadcast %jit3A : f32 to vector<128x512xf32>
        %select_n3A = arith.select %eq3A_89, %get3A_94, %broadcast_in_dim3A_95 : vector<128x512xi1>, vector<128x512xf32>
        %reduce_min3A = arith.constant dense<0x7F800000> : vector<128xf32>
        %reduce_min3A_96 = vector.multi_reduction <minimumf>, %select_n3A, %reduce_min3A [1] : vector<128x512xf32> to vector<128xf32>
        %broadcast_in_dim3A_97 = vector.shape_cast %reduce_min3A_96 : vector<128xf32> to vector<128x1xf32>
        %min3A_98 = arith.minimumf %while3A_83, %broadcast_in_dim3A_97 : vector<128x1xf32>
        scf.yield %min3A_98 : vector<128x1xf32>
      }
      %while3A_60 = arith.constant 1 : i32
      %while3A_61 = scf.for %while3A_82 = %while3A_57 to %while3A_53 step %while3A_60 iter_args(%while3A_83 = %while3A_59) -> (vector<128x1xf32>)  : i32 {
        %get3A_84 = arith.index_cast %while3A_82 : i32 to index
        %get3A_85 = arith.constant 0 : index
        %get3A_86 = arith.constant 0 : index
        %get3A_87 = vector.load %arg9[%get3A_84, %get3A_85, %get3A_86] : memref<13x128x512xi32, #tpu.memory_space<vmem>>, vector<1x128x512xi32>
        %get3A_88 = vector.shape_cast %get3A_87 : vector<1x128x512xi32> to vector<128x512xi32>
        %eq3A = vector.broadcast %while3A_47 : vector<128x1xi32> to vector<128x512xi32>
        %eq3A_89 = arith.cmpi eq, %get3A_88, %eq3A : vector<128x512xi32>
        %get3A_90 = arith.index_cast %while3A_82 : i32 to index
        %get3A_91 = arith.constant 0 : index
        %get3A_92 = arith.constant 0 : index
        %get3A_93 = vector.load %arg10[%get3A_90, %get3A_91, %get3A_92] : memref<13x128x512xf32, #tpu.memory_space<vmem>>, vector<1x128x512xf32>
        %get3A_94 = vector.shape_cast %get3A_93 : vector<1x128x512xf32> to vector<128x512xf32>
        %jit3A = arith.constant 0x7F800000 : f32
        %broadcast_in_dim3A_95 = vector.broadcast %jit3A : f32 to vector<128x512xf32>
        %select_n3A = arith.select %eq3A_89, %get3A_94, %broadcast_in_dim3A_95 : vector<128x512xi1>, vector<128x512xf32>
        %reduce_min3A = arith.constant dense<0x7F800000> : vector<128xf32>
        %reduce_min3A_96 = vector.multi_reduction <minimumf>, %select_n3A, %reduce_min3A [1] : vector<128x512xf32> to vector<128xf32>
        %broadcast_in_dim3A_97 = vector.shape_cast %reduce_min3A_96 : vector<128xf32> to vector<128x1xf32>
        %min3A_98 = arith.minimumf %while3A_83, %broadcast_in_dim3A_97 : vector<128x1xf32>
        scf.yield %min3A_98 : vector<128x1xf32>
      }
      %and3A = arith.constant 8191 : i32
      %and3A_62 = vector.broadcast %and3A : i32 to vector<128x1xi32>
      %and3A_63 = arith.andi %while3A_47, %and3A_62 : vector<128x1xi32>
      %min3A = arith.constant 6655 : i32
      %min3A_64 = vector.broadcast %min3A : i32 to vector<128x1xi32>
      %min3A_65 = arith.minsi %and3A_63, %min3A_64 : vector<128x1xi32>
      %swap3A = arith.index_cast %scan3A_33 : i32 to index
      %swap3A_66 = arith.constant 0 : index
      %swap3A_67 = arith.constant 0 : index
      %swap3A_68 = vector.load %arg7[%swap3A, %swap3A_66, %swap3A_67] : memref<16x128x1xi32, #tpu.memory_space<vmem>>, vector<1x128x1xi32>
      %swap3A_69 = vector.shape_cast %swap3A_68 : vector<1x128x1xi32> to vector<128x1xi32>
      %swap3A_70 = vector.shape_cast %min3A_65 : vector<128x1xi32> to vector<1x128x1xi32>
      tpu.vector_store %arg7[%swap3A, %swap3A_66, %swap3A_67], %swap3A_70 {strides = array<i32>} : memref<16x128x1xi32, #tpu.memory_space<vmem>>, vector<1x128x1xi32>,
      %max3A = arith.constant 0.000000e+00 : f32
      %max3A_71 = vector.broadcast %max3A : f32 to vector<128x1xf32>
      %max3A_72 = arith.maximumf %while3A_61, %max3A_71 : vector<128x1xf32>
      %add3A_73 = arith.constant 9.99999996E-13 : f32
      %add3A_74 = vector.broadcast %add3A_73 : f32 to vector<128x1xf32>
      %add3A_75 = arith.addf %max3A_72, %add3A_74 : vector<128x1xf32>
      %sqrt3A = math.sqrt %add3A_75 : vector<128x1xf32>
      %swap3A_76 = arith.index_cast %scan3A_33 : i32 to index
      %swap3A_77 = arith.constant 0 : index
      %swap3A_78 = arith.constant 0 : index
      %swap3A_79 = vector.load %arg8[%swap3A_76, %swap3A_77, %swap3A_78] : memref<16x128x1xf32, #tpu.memory_space<vmem>>, vector<1x128x1xf32>
      %swap3A_80 = vector.shape_cast %swap3A_79 : vector<1x128x1xf32> to vector<128x1xf32>
      %swap3A_81 = vector.shape_cast %sqrt3A : vector<128x1xf32> to vector<1x128x1xf32>
      tpu.vector_store %arg8[%swap3A_76, %swap3A_77, %swap3A_78], %swap3A_81 {strides = array<i32>} : memref<16x128x1xf32, #tpu.memory_space<vmem>>, vector<1x128x1xf32>,
      scf.yield %while3A_47 : vector<128x1xi32>
    }
    %scan3A_32 = arith.constant 16 : i32
    return
  }
  func.func @transform_0(%arg0: i32) -> i32 {
    %c0_i32 = arith.constant 0 : i32
    %c0_i32_0 = arith.constant 0 : i32
    return %c0_i32 : i32
  }
  func.func @transform_1(%arg0: i32) -> i32 {
    %c0_i32 = arith.constant 0 : i32
    %c0_i32_0 = arith.constant 0 : i32
    return %c0_i32 : i32
  }
  func.func @transform_2(%arg0: i32) -> (i32, i32) {
    %c0_i32 = arith.constant 0 : i32
    %c0_i32_0 = arith.constant 0 : i32
    return %arg0, %c0_i32 : i32, i32
  }
  func.func @transform_3(%arg0: i32) -> (i32, i32, i32) {
    %c0_i32 = arith.constant 0 : i32
    %c0_i32_0 = arith.constant 0 : i32
    %c0_i32_1 = arith.constant 0 : i32
    %c0_i32_2 = arith.constant 0 : i32
    return %c0_i32, %c0_i32_0, %c0_i32_1 : i32, i32, i32
  }
  func.func @transform_4(%arg0: i32) -> (i32, i32, i32) {
    %c0_i32 = arith.constant 0 : i32
    %c0_i32_0 = arith.constant 0 : i32
    %c0_i32_1 = arith.constant 0 : i32
    %c0_i32_2 = arith.constant 0 : i32
    return %c0_i32, %c0_i32_0, %c0_i32_1 : i32, i32, i32
  }
  func.func @transform_5(%arg0: i32) -> (i32, i32) {
    %c0_i32 = arith.constant 0 : i32
    %c0_i32_0 = arith.constant 0 : i32
    return %arg0, %c0_i32 : i32, i32
  }
  func.func @transform_6(%arg0: i32) -> (i32, i32, i32) {
    %c0_i32 = arith.constant 0 : i32
    %c0_i32_0 = arith.constant 0 : i32
    %c0_i32_1 = arith.constant 0 : i32
    return %c0_i32, %arg0, %c0_i32_0 : i32, i32, i32
  }
  func.func @transform_7(%arg0: i32) -> (i32, i32, i32) {
    %c0_i32 = arith.constant 0 : i32
    %c0_i32_0 = arith.constant 0 : i32
    %c0_i32_1 = arith.constant 0 : i32
    return %c0_i32, %arg0, %c0_i32_0 : i32, i32, i32
  }
}

module attributes {stable_mosaic.version = 14 : i64} {
  func.func @_embed_body(%arg0: i32, %arg1: memref<128x56xf32, #tpu.memory_space<vmem>>, %arg2: memref<56x128xf32, #tpu.memory_space<vmem>>, %arg3: memref<128x128xf32, #tpu.memory_space<vmem>>) attributes {dimension_semantics = [#tpu.dimension_semantics<arbitrary>], iteration_bounds = array<i64: 52>, scalar_prefetch = 0 : i64, scratch_operands = 0 : i64, tpu.core_type = #tpu.core_type<tc>, window_params = [{transform_indices = @transform_0, window_bounds = array<i64: 128, 56>}, {pipeline_mode = #tpu.pipeline_mode<synchronous>, transform_indices = @transform_1, window_bounds = array<i64: 56, 128>}, {transform_indices = @transform_2, window_bounds = array<i64: 128, 128>}]} {
    %get3A = arith.constant 0 : index
    %get3A_0 = arith.constant 0 : index
    %get3A_1 = vector.load %arg1[%get3A, %get3A_0] : memref<128x56xf32, #tpu.memory_space<vmem>>, vector<128x56xf32>
    %get3A_2 = arith.constant 0 : index
    %get3A_3 = arith.constant 0 : index
    %get3A_4 = vector.load %arg2[%get3A_2, %get3A_3] : memref<56x128xf32, #tpu.memory_space<vmem>>, vector<56x128xf32>
    %dot_general3A = arith.constant dense<0.000000e+00> : vector<128x128xf32>
    %dot_general3A_5 = tpu.matmul %get3A_1, %get3A_4, %dot_general3A {dimension_numbers = #tpu.dot_dimension_numbers<[1], [0], [0], [1], [0, 0, 1, 1], [], []>, transpose_lhs_hint = false} : vector<128x56xf32>, vector<56x128xf32>, vector<128x128xf32> -> vector<128x128xf32>
    %swap3A = arith.constant 0 : index
    %swap3A_6 = arith.constant 0 : index
    %swap3A_7 = vector.load %arg3[%swap3A, %swap3A_6] : memref<128x128xf32, #tpu.memory_space<vmem>>, vector<128x128xf32>
    tpu.vector_store %arg3[%swap3A, %swap3A_6], %dot_general3A_5 {strides = array<i32>} : memref<128x128xf32, #tpu.memory_space<vmem>>, vector<128x128xf32>,
    return
  }
  func.func @transform_0(%arg0: i32) -> (i32, i32) {
    %c0_i32 = arith.constant 0 : i32
    %c0_i32_0 = arith.constant 0 : i32
    return %arg0, %c0_i32 : i32, i32
  }
  func.func @transform_1(%arg0: i32) -> (i32, i32) {
    %c0_i32 = arith.constant 0 : i32
    %c0_i32_0 = arith.constant 0 : i32
    %c0_i32_1 = arith.constant 0 : i32
    return %c0_i32, %c0_i32_0 : i32, i32
  }
  func.func @transform_2(%arg0: i32) -> (i32, i32) {
    %c0_i32 = arith.constant 0 : i32
    %c0_i32_0 = arith.constant 0 : i32
    return %arg0, %c0_i32 : i32, i32
  }
}

module attributes {stable_mosaic.version = 14 : i64} {
  func.func @_layer_body(%arg0: i32, %arg1: memref<128x128xf32, #tpu.memory_space<vmem>>, %arg2: memref<2048x128xf32, #tpu.memory_space<vmem>>, %arg3: memref<2048x1xf32, #tpu.memory_space<vmem>>, %arg4: memref<128x128xf32, #tpu.memory_space<vmem>>, %arg5: memref<128x128xf32, #tpu.memory_space<vmem>>, %arg6: memref<32x128xf32, #tpu.memory_space<vmem>>, %arg7: memref<1x128xf32, #tpu.memory_space<vmem>>, %arg8: memref<128x128xf32, #tpu.memory_space<vmem>>, %arg9: memref<1x128xf32, #tpu.memory_space<vmem>>, %arg10: memref<128x128xf32, #tpu.memory_space<vmem>>, %arg11: memref<128x128xf32, #tpu.memory_space<vmem>>, %arg12: memref<1x128xf32, #tpu.memory_space<vmem>>, %arg13: memref<128x128xf32, #tpu.memory_space<vmem>>, %arg14: memref<1x128xf32, #tpu.memory_space<vmem>>, %arg15: memref<1x128xf32, #tpu.memory_space<vmem>>, %arg16: memref<1x128xf32, #tpu.memory_space<vmem>>, %arg17: memref<128x128xf32, #tpu.memory_space<vmem>>) attributes {dimension_semantics = [#tpu.dimension_semantics<arbitrary>], iteration_bounds = array<i64: 52>, scalar_prefetch = 0 : i64, scratch_operands = 0 : i64, tpu.core_type = #tpu.core_type<tc>, window_params = [{transform_indices = @transform_0, window_bounds = array<i64: 128, 128>}, {transform_indices = @transform_1, window_bounds = array<i64: 2048, 128>}, {transform_indices = @transform_2, window_bounds = array<i64: 2048, 1>}, {pipeline_mode = #tpu.pipeline_mode<synchronous>, transform_indices = @transform_3, window_bounds = array<i64: 128, 128>}, {pipeline_mode = #tpu.pipeline_mode<synchronous>, transform_indices = @transform_4, window_bounds = array<i64: 128, 128>}, {pipeline_mode = #tpu.pipeline_mode<synchronous>, transform_indices = @transform_5, window_bounds = array<i64: 32, 128>}, {pipeline_mode = #tpu.pipeline_mode<synchronous>, transform_indices = @transform_6, window_bounds = array<i64: 1, 128>}, {pipeline_mode = #tpu.pipeline_mode<synchronous>, transform_indices = @transform_7, window_bounds = array<i64: 128, 128>}, {pipeline_mode = #tpu.pipeline_mode<synchronous>, transform_indices = @transform_8, window_bounds = array<i64: 1, 128>}, {pipeline_mode = #tpu.pipeline_mode<synchronous>, transform_indices = @transform_9, window_bounds = array<i64: 128, 128>}, {pipeline_mode = #tpu.pipeline_mode<synchronous>, transform_indices = @transform_10, window_bounds = array<i64: 128, 128>}, {pipeline_mode = #tpu.pipeline_mode<synchronous>, transform_indices = @transform_11, window_bounds = array<i64: 1, 128>}, {pipeline_mode = #tpu.pipeline_mode<synchronous>, transform_indices = @transform_12, window_bounds = array<i64: 128, 128>}, {pipeline_mode = #tpu.pipeline_mode<synchronous>, transform_indices = @transform_13, window_bounds = array<i64: 1, 128>}, {pipeline_mode = #tpu.pipeline_mode<synchronous>, transform_indices = @transform_14, window_bounds = array<i64: 1, 128>}, {pipeline_mode = #tpu.pipeline_mode<synchronous>, transform_indices = @transform_15, window_bounds = array<i64: 1, 128>}, {transform_indices = @transform_16, window_bounds = array<i64: 128, 128>}]} {
    %get3A = arith.constant 0 : index
    %get3A_0 = arith.constant 0 : index
    %get3A_1 = vector.load %arg1[%get3A, %get3A_0] : memref<128x128xf32, #tpu.memory_space<vmem>>, vector<128x128xf32>
    %get3A_2 = arith.constant 0 : index
    %get3A_3 = arith.constant 0 : index
    %get3A_4 = vector.load %arg2[%get3A_2, %get3A_3] : memref<2048x128xf32, #tpu.memory_space<vmem>>, vector<2048x128xf32>
    %get3A_5 = arith.constant 0 : index
    %get3A_6 = arith.constant 0 : index
    %get3A_7 = vector.load %arg3[%get3A_5, %get3A_6] : memref<2048x1xf32, #tpu.memory_space<vmem>>, vector<2048x1xf32>
    %iota3A = tpu.iota {dimensions = array<i32: 1>} : vector<1x32xi32>
    %lt3A = arith.constant 20 : i32
    %lt3A_8 = vector.broadcast %lt3A : i32 to vector<1x32xi32>
    %lt3A_9 = arith.cmpi slt, %iota3A, %lt3A_8 : vector<1x32xi32>
    %convert_element_type3A = arith.sitofp %iota3A : vector<1x32xi32> to vector<1x32xf32>
    %mul3A = arith.constant 0.526315808 : f32
    %mul3A_10 = vector.broadcast %mul3A : f32 to vector<1x32xf32>
    %mul3A_11 = arith.mulf %convert_element_type3A, %mul3A_10 : vector<1x32xf32>
    %jit3A = arith.constant 1.000000e+06 : f32
    %broadcast_in_dim3A = vector.broadcast %jit3A : f32 to vector<1x32xf32>
    %select_n3A = arith.select %lt3A_9, %mul3A_11, %broadcast_in_dim3A : vector<1x32xi1>, vector<1x32xf32>
    %sub3A = vector.broadcast %get3A_7 : vector<2048x1xf32> to vector<2048x32xf32>
    %sub3A_12 = vector.broadcast %select_n3A : vector<1x32xf32> to vector<2048x32xf32>
    %sub3A_13 = arith.subf %sub3A, %sub3A_12 : vector<2048x32xf32>
    %integer_pow3A = arith.mulf %sub3A_13, %sub3A_13 : vector<2048x32xf32>
    %mul3A_14 = arith.constant -1.805000e+00 : f32
    %mul3A_15 = vector.broadcast %mul3A_14 : f32 to vector<2048x32xf32>
    %mul3A_16 = arith.mulf %mul3A_15, %integer_pow3A : vector<2048x32xf32>
    %exp3A = math.exp %mul3A_16 : vector<2048x32xf32>
    %get3A_17 = arith.constant 0 : index
    %get3A_18 = arith.constant 0 : index
    %get3A_19 = vector.load %arg4[%get3A_17, %get3A_18] : memref<128x128xf32, #tpu.memory_space<vmem>>, vector<128x128xf32>
    %dot_general3A = arith.constant dense<0.000000e+00> : vector<128x128xf32>
    %dot_general3A_20 = tpu.matmul %get3A_1, %get3A_19, %dot_general3A {dimension_numbers = #tpu.dot_dimension_numbers<[1], [0], [0], [1], [0, 0, 1, 1], [], []>, transpose_lhs_hint = false} : vector<128x128xf32>, vector<128x128xf32>, vector<128x128xf32> -> vector<128x128xf32>
    %broadcast_in_dim3A_21 = vector.shape_cast %dot_general3A_20 : vector<128x128xf32> to vector<128x1x128xf32>
    %broadcast_in_dim3A_22 = vector.shape_cast %broadcast_in_dim3A_21 : vector<128x1x128xf32> to vector<128x1x128xf32>
    %broadcast_in_dim3A_23 = vector.broadcast %broadcast_in_dim3A_22 : vector<128x1x128xf32> to vector<128x16x128xf32>
    %reshape3A = vector.shape_cast %broadcast_in_dim3A_23 : vector<128x16x128xf32> to vector<2048x128xf32>
    %get3A_24 = arith.constant 0 : index
    %get3A_25 = arith.constant 0 : index
    %get3A_26 = vector.load %arg5[%get3A_24, %get3A_25] : memref<128x128xf32, #tpu.memory_space<vmem>>, vector<128x128xf32>
    %dot_general3A_27 = arith.constant dense<0.000000e+00> : vector<2048x128xf32>
    %dot_general3A_28 = tpu.matmul %get3A_4, %get3A_26, %dot_general3A_27 {dimension_numbers = #tpu.dot_dimension_numbers<[1], [0], [0], [1], [0, 0, 1, 1], [], []>, transpose_lhs_hint = false} : vector<2048x128xf32>, vector<128x128xf32>, vector<2048x128xf32> -> vector<2048x128xf32>
    %add3A = arith.addf %reshape3A, %dot_general3A_28 : vector<2048x128xf32>
    %get3A_29 = arith.constant 0 : index
    %get3A_30 = arith.constant 0 : index
    %get3A_31 = vector.load %arg6[%get3A_29, %get3A_30] : memref<32x128xf32, #tpu.memory_space<vmem>>, vector<32x128xf32>
    %dot_general3A_32 = arith.constant dense<0.000000e+00> : vector<2048x128xf32>
    %dot_general3A_33 = tpu.matmul %exp3A, %get3A_31, %dot_general3A_32 {dimension_numbers = #tpu.dot_dimension_numbers<[1], [0], [0], [1], [0, 0, 1, 1], [], []>, transpose_lhs_hint = false} : vector<2048x32xf32>, vector<32x128xf32>, vector<2048x128xf32> -> vector<2048x128xf32>
    %add3A_34 = arith.addf %add3A, %dot_general3A_33 : vector<2048x128xf32>
    %get3A_35 = arith.constant 0 : index
    %get3A_36 = arith.constant 0 : index
    %get3A_37 = vector.load %arg7[%get3A_35, %get3A_36] : memref<1x128xf32, #tpu.memory_space<vmem>>, vector<1x128xf32>
    %add3A_38 = vector.broadcast %get3A_37 : vector<1x128xf32> to vector<2048x128xf32>
    %add3A_39 = arith.addf %add3A_34, %add3A_38 : vector<2048x128xf32>
    %max3A = arith.constant 0.000000e+00 : f32
    %max3A_40 = vector.broadcast %max3A : f32 to vector<2048x128xf32>
    %max3A_41 = arith.maximumf %add3A_39, %max3A_40 : vector<2048x128xf32>
    %get3A_42 = arith.constant 0 : index
    %get3A_43 = arith.constant 0 : index
    %get3A_44 = vector.load %arg8[%get3A_42, %get3A_43] : memref<128x128xf32, #tpu.memory_space<vmem>>, vector<128x128xf32>
    %dot_general3A_45 = arith.constant dense<0.000000e+00> : vector<2048x128xf32>
    %dot_general3A_46 = tpu.matmul %max3A_41, %get3A_44, %dot_general3A_45 {dimension_numbers = #tpu.dot_dimension_numbers<[1], [0], [0], [1], [0, 0, 1, 1], [], []>, transpose_lhs_hint = false} : vector<2048x128xf32>, vector<128x128xf32>, vector<2048x128xf32> -> vector<2048x128xf32>
    %get3A_47 = arith.constant 0 : index
    %get3A_48 = arith.constant 0 : index
    %get3A_49 = vector.load %arg9[%get3A_47, %get3A_48] : memref<1x128xf32, #tpu.memory_space<vmem>>, vector<1x128xf32>
    %add3A_50 = vector.broadcast %get3A_49 : vector<1x128xf32> to vector<2048x128xf32>
    %add3A_51 = arith.addf %dot_general3A_46, %add3A_50 : vector<2048x128xf32>
    %max3A_52 = arith.constant 0.000000e+00 : f32
    %max3A_53 = vector.broadcast %max3A_52 : f32 to vector<2048x128xf32>
    %max3A_54 = arith.maximumf %add3A_51, %max3A_53 : vector<2048x128xf32>
    %le3A = arith.constant 1.000000e+01 : f32
    %le3A_55 = vector.broadcast %le3A : f32 to vector<2048x1xf32>
    %le3A_56 = arith.cmpf ole, %get3A_7, %le3A_55 : vector<2048x1xf32>
    %convert_element_type3A_57 = arith.extui %le3A_56 : vector<2048x1xi1> to vector<2048x1xi32>
    %convert_element_type3A_58 = arith.sitofp %convert_element_type3A_57 : vector<2048x1xi32> to vector<2048x1xf32>
    %mul3A_59 = vector.broadcast %convert_element_type3A_58 : vector<2048x1xf32> to vector<2048x128xf32>
    %mul3A_60 = arith.mulf %max3A_54, %mul3A_59 : vector<2048x128xf32>
    %reshape3A_61 = vector.shape_cast %mul3A_60 : vector<2048x128xf32> to vector<128x16x128xf32>
    %reduce_sum3A = arith.constant dense<0.000000e+00> : vector<128x128xf32>
    %reduce_sum3A_62 = vector.multi_reduction <add>, %reshape3A_61, %reduce_sum3A [1] : vector<128x16x128xf32> to vector<128x128xf32>
    %get3A_63 = arith.constant 0 : index
    %get3A_64 = arith.constant 0 : index
    %get3A_65 = vector.load %arg10[%get3A_63, %get3A_64] : memref<128x128xf32, #tpu.memory_space<vmem>>, vector<128x128xf32>
    %dot_general3A_66 = arith.constant dense<0.000000e+00> : vector<128x128xf32>
    %dot_general3A_67 = tpu.matmul %get3A_1, %get3A_65, %dot_general3A_66 {dimension_numbers = #tpu.dot_dimension_numbers<[1], [0], [0], [1], [0, 0, 1, 1], [], []>, transpose_lhs_hint = false} : vector<128x128xf32>, vector<128x128xf32>, vector<128x128xf32> -> vector<128x128xf32>
    %get3A_68 = arith.constant 0 : index
    %get3A_69 = arith.constant 0 : index
    %get3A_70 = vector.load %arg11[%get3A_68, %get3A_69] : memref<128x128xf32, #tpu.memory_space<vmem>>, vector<128x128xf32>
    %dot_general3A_71 = arith.constant dense<0.000000e+00> : vector<128x128xf32>
    %dot_general3A_72 = tpu.matmul %reduce_sum3A_62, %get3A_70, %dot_general3A_71 {dimension_numbers = #tpu.dot_dimension_numbers<[1], [0], [0], [1], [0, 0, 1, 1], [], []>, transpose_lhs_hint = false} : vector<128x128xf32>, vector<128x128xf32>, vector<128x128xf32> -> vector<128x128xf32>
    %add3A_73 = arith.addf %dot_general3A_67, %dot_general3A_72 : vector<128x128xf32>
    %get3A_74 = arith.constant 0 : index
    %get3A_75 = arith.constant 0 : index
    %get3A_76 = vector.load %arg12[%get3A_74, %get3A_75] : memref<1x128xf32, #tpu.memory_space<vmem>>, vector<1x128xf32>
    %add3A_77 = vector.broadcast %get3A_76 : vector<1x128xf32> to vector<128x128xf32>
    %add3A_78 = arith.addf %add3A_73, %add3A_77 : vector<128x128xf32>
    %max3A_79 = arith.constant 0.000000e+00 : f32
    %max3A_80 = vector.broadcast %max3A_79 : f32 to vector<128x128xf32>
    %max3A_81 = arith.maximumf %add3A_78, %max3A_80 : vector<128x128xf32>
    %get3A_82 = arith.constant 0 : index
    %get3A_83 = arith.constant 0 : index
    %get3A_84 = vector.load %arg13[%get3A_82, %get3A_83] : memref<128x128xf32, #tpu.memory_space<vmem>>, vector<128x128xf32>
    %dot_general3A_85 = arith.constant dense<0.000000e+00> : vector<128x128xf32>
    %dot_general3A_86 = tpu.matmul %max3A_81, %get3A_84, %dot_general3A_85 {dimension_numbers = #tpu.dot_dimension_numbers<[1], [0], [0], [1], [0, 0, 1, 1], [], []>, transpose_lhs_hint = false} : vector<128x128xf32>, vector<128x128xf32>, vector<128x128xf32> -> vector<128x128xf32>
    %get3A_87 = arith.constant 0 : index
    %get3A_88 = arith.constant 0 : index
    %get3A_89 = vector.load %arg14[%get3A_87, %get3A_88] : memref<1x128xf32, #tpu.memory_space<vmem>>, vector<1x128xf32>
    %add3A_90 = vector.broadcast %get3A_89 : vector<1x128xf32> to vector<128x128xf32>
    %add3A_91 = arith.addf %dot_general3A_86, %add3A_90 : vector<128x128xf32>
    %add3A_92 = arith.addf %get3A_1, %add3A_91 : vector<128x128xf32>
    %reduce_sum3A_93 = arith.constant dense<0.000000e+00> : vector<128xf32>
    %reduce_sum3A_94 = vector.multi_reduction <add>, %add3A_92, %reduce_sum3A_93 [1] : vector<128x128xf32> to vector<128xf32>
    %broadcast_in_dim3A_95 = vector.shape_cast %reduce_sum3A_94 : vector<128xf32> to vector<128x1xf32>
    %div3A = arith.constant 1.280000e+02 : f32
    %div3A_96 = vector.broadcast %div3A : f32 to vector<128x1xf32>
    %div3A_97 = arith.divf %broadcast_in_dim3A_95, %div3A_96 : vector<128x1xf32>
    %sub3A_98 = vector.broadcast %div3A_97 : vector<128x1xf32> to vector<128x128xf32>
    %sub3A_99 = arith.subf %add3A_92, %sub3A_98 : vector<128x128xf32>
    %integer_pow3A_100 = arith.mulf %sub3A_99, %sub3A_99 : vector<128x128xf32>
    %reduce_sum3A_101 = arith.constant dense<0.000000e+00> : vector<128xf32>
    %reduce_sum3A_102 = vector.multi_reduction <add>, %integer_pow3A_100, %reduce_sum3A_101 [1] : vector<128x128xf32> to vector<128xf32>
    %broadcast_in_dim3A_103 = vector.shape_cast %reduce_sum3A_102 : vector<128xf32> to vector<128x1xf32>
    %div3A_104 = arith.constant 1.280000e+02 : f32
    %div3A_105 = vector.broadcast %div3A_104 : f32 to vector<128x1xf32>
    %div3A_106 = arith.divf %broadcast_in_dim3A_103, %div3A_105 : vector<128x1xf32>
    %sub3A_107 = vector.broadcast %div3A_97 : vector<128x1xf32> to vector<128x128xf32>
    %sub3A_108 = arith.subf %add3A_92, %sub3A_107 : vector<128x128xf32>
    %add3A_109 = arith.constant 9.99999974E-6 : f32
    %add3A_110 = vector.broadcast %add3A_109 : f32 to vector<128x1xf32>
    %add3A_111 = arith.addf %div3A_106, %add3A_110 : vector<128x1xf32>
    %sqrt3A = math.sqrt %add3A_111 : vector<128x1xf32>
    %div3A_112 = vector.broadcast %sqrt3A : vector<128x1xf32> to vector<128x128xf32>
    %div3A_113 = arith.divf %sub3A_108, %div3A_112 : vector<128x128xf32>
    %get3A_114 = arith.constant 0 : index
    %get3A_115 = arith.constant 0 : index
    %get3A_116 = vector.load %arg15[%get3A_114, %get3A_115] : memref<1x128xf32, #tpu.memory_space<vmem>>, vector<1x128xf32>
    %mul3A_117 = vector.broadcast %get3A_116 : vector<1x128xf32> to vector<128x128xf32>
    %mul3A_118 = arith.mulf %div3A_113, %mul3A_117 : vector<128x128xf32>
    %get3A_119 = arith.constant 0 : index
    %get3A_120 = arith.constant 0 : index
    %get3A_121 = vector.load %arg16[%get3A_119, %get3A_120] : memref<1x128xf32, #tpu.memory_space<vmem>>, vector<1x128xf32>
    %add3A_122 = vector.broadcast %get3A_121 : vector<1x128xf32> to vector<128x128xf32>
    %add3A_123 = arith.addf %mul3A_118, %add3A_122 : vector<128x128xf32>
    %swap3A = arith.constant 0 : index
    %swap3A_124 = arith.constant 0 : index
    %swap3A_125 = vector.load %arg17[%swap3A, %swap3A_124] : memref<128x128xf32, #tpu.memory_space<vmem>>, vector<128x128xf32>
    tpu.vector_store %arg17[%swap3A, %swap3A_124], %add3A_123 {strides = array<i32>} : memref<128x128xf32, #tpu.memory_space<vmem>>, vector<128x128xf32>,
    return
  }
  func.func @transform_0(%arg0: i32) -> (i32, i32) {
    %c0_i32 = arith.constant 0 : i32
    %c0_i32_0 = arith.constant 0 : i32
    return %arg0, %c0_i32 : i32, i32
  }
  func.func @transform_1(%arg0: i32) -> (i32, i32) {
    %c0_i32 = arith.constant 0 : i32
    %c0_i32_0 = arith.constant 0 : i32
    return %arg0, %c0_i32 : i32, i32
  }
  func.func @transform_2(%arg0: i32) -> (i32, i32) {
    %c0_i32 = arith.constant 0 : i32
    %c0_i32_0 = arith.constant 0 : i32
    return %arg0, %c0_i32 : i32, i32
  }
  func.func @transform_3(%arg0: i32) -> (i32, i32) {
    %c0_i32 = arith.constant 0 : i32
    %c0_i32_0 = arith.constant 0 : i32
    %c0_i32_1 = arith.constant 0 : i32
    return %c0_i32, %c0_i32_0 : i32, i32
  }
  func.func @transform_4(%arg0: i32) -> (i32, i32) {
    %c0_i32 = arith.constant 0 : i32
    %c0_i32_0 = arith.constant 0 : i32
    %c0_i32_1 = arith.constant 0 : i32
    return %c0_i32, %c0_i32_0 : i32, i32
  }
  func.func @transform_5(%arg0: i32) -> (i32, i32) {
    %c0_i32 = arith.constant 0 : i32
    %c0_i32_0 = arith.constant 0 : i32
    %c0_i32_1 = arith.constant 0 : i32
    return %c0_i32, %c0_i32_0 : i32, i32
  }
  func.func @transform_6(%arg0: i32) -> (i32, i32) {
    %c0_i32 = arith.constant 0 : i32
    %c0_i32_0 = arith.constant 0 : i32
    %c0_i32_1 = arith.constant 0 : i32
    return %c0_i32, %c0_i32_0 : i32, i32
  }
  func.func @transform_7(%arg0: i32) -> (i32, i32) {
    %c0_i32 = arith.constant 0 : i32
    %c0_i32_0 = arith.constant 0 : i32
    %c0_i32_1 = arith.constant 0 : i32
    return %c0_i32, %c0_i32_0 : i32, i32
  }
  func.func @transform_8(%arg0: i32) -> (i32, i32) {
    %c0_i32 = arith.constant 0 : i32
    %c0_i32_0 = arith.constant 0 : i32
    %c0_i32_1 = arith.constant 0 : i32
    return %c0_i32, %c0_i32_0 : i32, i32
  }
  func.func @transform_9(%arg0: i32) -> (i32, i32) {
    %c0_i32 = arith.constant 0 : i32
    %c0_i32_0 = arith.constant 0 : i32
    %c0_i32_1 = arith.constant 0 : i32
    return %c0_i32, %c0_i32_0 : i32, i32
  }
  func.func @transform_10(%arg0: i32) -> (i32, i32) {
    %c0_i32 = arith.constant 0 : i32
    %c0_i32_0 = arith.constant 0 : i32
    %c0_i32_1 = arith.constant 0 : i32
    return %c0_i32, %c0_i32_0 : i32, i32
  }
  func.func @transform_11(%arg0: i32) -> (i32, i32) {
    %c0_i32 = arith.constant 0 : i32
    %c0_i32_0 = arith.constant 0 : i32
    %c0_i32_1 = arith.constant 0 : i32
    return %c0_i32, %c0_i32_0 : i32, i32
  }
  func.func @transform_12(%arg0: i32) -> (i32, i32) {
    %c0_i32 = arith.constant 0 : i32
    %c0_i32_0 = arith.constant 0 : i32
    %c0_i32_1 = arith.constant 0 : i32
    return %c0_i32, %c0_i32_0 : i32, i32
  }
  func.func @transform_13(%arg0: i32) -> (i32, i32) {
    %c0_i32 = arith.constant 0 : i32
    %c0_i32_0 = arith.constant 0 : i32
    %c0_i32_1 = arith.constant 0 : i32
    return %c0_i32, %c0_i32_0 : i32, i32
  }
  func.func @transform_14(%arg0: i32) -> (i32, i32) {
    %c0_i32 = arith.constant 0 : i32
    %c0_i32_0 = arith.constant 0 : i32
    %c0_i32_1 = arith.constant 0 : i32
    return %c0_i32, %c0_i32_0 : i32, i32
  }
  func.func @transform_15(%arg0: i32) -> (i32, i32) {
    %c0_i32 = arith.constant 0 : i32
    %c0_i32_0 = arith.constant 0 : i32
    %c0_i32_1 = arith.constant 0 : i32
    return %c0_i32, %c0_i32_0 : i32, i32
  }
  func.func @transform_16(%arg0: i32) -> (i32, i32) {
    %c0_i32 = arith.constant 0 : i32
    %c0_i32_0 = arith.constant 0 : i32
    return %arg0, %c0_i32 : i32, i32
  }
}

module attributes {stable_mosaic.version = 14 : i64} {
  func.func @_final_body(%arg0: i32, %arg1: memref<128x128xf32, #tpu.memory_space<vmem>>, %arg2: memref<128x16xf32, #tpu.memory_space<vmem>>, %arg3: memref<128x1xi32, #tpu.memory_space<vmem>>, %arg4: memref<128x128xf32, #tpu.memory_space<vmem>>, %arg5: memref<16x128xf32, #tpu.memory_space<vmem>>, %arg6: memref<1x128xf32, #tpu.memory_space<vmem>>, %arg7: memref<128x128xf32, #tpu.memory_space<vmem>>, %arg8: memref<1x128xf32, #tpu.memory_space<vmem>>, %arg9: memref<32x8xf32, #tpu.memory_space<vmem>>, %arg10: memref<128x128xf32, #tpu.memory_space<vmem>>, %arg11: memref<8x128xf32, #tpu.memory_space<vmem>>, %arg12: memref<1x128xf32, #tpu.memory_space<vmem>>, %arg13: memref<128x2xf32, #tpu.memory_space<vmem>>, %arg14: memref<1x2xf32, #tpu.memory_space<vmem>>, %arg15: memref<32x1xi32, #tpu.memory_space<vmem>>, %arg16: memref<32x1xf32, #tpu.memory_space<vmem>>, %arg17: memref<32x128xf32, #tpu.memory_space<vmem>>) attributes {dimension_semantics = [#tpu.dimension_semantics<arbitrary>], iteration_bounds = array<i64: 52>, scalar_prefetch = 0 : i64, scratch_operands = 1 : i64, tpu.core_type = #tpu.core_type<tc>, window_params = [{transform_indices = @transform_0, window_bounds = array<i64: 128, 128>}, {transform_indices = @transform_1, window_bounds = array<i64: 128, 16>}, {transform_indices = @transform_2, window_bounds = array<i64: 128, 1>}, {pipeline_mode = #tpu.pipeline_mode<synchronous>, transform_indices = @transform_3, window_bounds = array<i64: 128, 128>}, {pipeline_mode = #tpu.pipeline_mode<synchronous>, transform_indices = @transform_4, window_bounds = array<i64: 16, 128>}, {pipeline_mode = #tpu.pipeline_mode<synchronous>, transform_indices = @transform_5, window_bounds = array<i64: 1, 128>}, {pipeline_mode = #tpu.pipeline_mode<synchronous>, transform_indices = @transform_6, window_bounds = array<i64: 128, 128>}, {pipeline_mode = #tpu.pipeline_mode<synchronous>, transform_indices = @transform_7, window_bounds = array<i64: 1, 128>}, {pipeline_mode = #tpu.pipeline_mode<synchronous>, transform_indices = @transform_8, window_bounds = array<i64: 32, 8>}, {pipeline_mode = #tpu.pipeline_mode<synchronous>, transform_indices = @transform_9, window_bounds = array<i64: 128, 128>}, {pipeline_mode = #tpu.pipeline_mode<synchronous>, transform_indices = @transform_10, window_bounds = array<i64: 8, 128>}, {pipeline_mode = #tpu.pipeline_mode<synchronous>, transform_indices = @transform_11, window_bounds = array<i64: 1, 128>}, {pipeline_mode = #tpu.pipeline_mode<synchronous>, transform_indices = @transform_12, window_bounds = array<i64: 128, 2>}, {pipeline_mode = #tpu.pipeline_mode<synchronous>, transform_indices = @transform_13, window_bounds = array<i64: 1, 2>}, {pipeline_mode = #tpu.pipeline_mode<synchronous>, transform_indices = @transform_14, window_bounds = array<i64: 32, 1>}, {pipeline_mode = #tpu.pipeline_mode<synchronous>, transform_indices = @transform_15, window_bounds = array<i64: 32, 1>}]} {
    %get3A = arith.constant 0 : index
    %get3A_0 = arith.constant 0 : index
    %get3A_1 = vector.load %arg1[%get3A, %get3A_0] : memref<128x128xf32, #tpu.memory_space<vmem>>, vector<128x128xf32>
    %get3A_2 = arith.constant 0 : index
    %get3A_3 = arith.constant 0 : index
    %get3A_4 = vector.load %arg4[%get3A_2, %get3A_3] : memref<128x128xf32, #tpu.memory_space<vmem>>, vector<128x128xf32>
    %dot_general3A = arith.constant dense<0.000000e+00> : vector<128x128xf32>
    %dot_general3A_5 = tpu.matmul %get3A_1, %get3A_4, %dot_general3A {dimension_numbers = #tpu.dot_dimension_numbers<[1], [0], [0], [1], [0, 0, 1, 1], [], []>, transpose_lhs_hint = false} : vector<128x128xf32>, vector<128x128xf32>, vector<128x128xf32> -> vector<128x128xf32>
    %get3A_6 = arith.constant 0 : index
    %get3A_7 = arith.constant 0 : index
    %get3A_8 = vector.load %arg2[%get3A_6, %get3A_7] : memref<128x16xf32, #tpu.memory_space<vmem>>, vector<128x16xf32>
    %get3A_9 = arith.constant 0 : index
    %get3A_10 = arith.constant 0 : index
    %get3A_11 = vector.load %arg5[%get3A_9, %get3A_10] : memref<16x128xf32, #tpu.memory_space<vmem>>, vector<16x128xf32>
    %dot_general3A_12 = arith.constant dense<0.000000e+00> : vector<128x128xf32>
    %dot_general3A_13 = tpu.matmul %get3A_8, %get3A_11, %dot_general3A_12 {dimension_numbers = #tpu.dot_dimension_numbers<[1], [0], [0], [1], [0, 0, 1, 1], [], []>, transpose_lhs_hint = false} : vector<128x16xf32>, vector<16x128xf32>, vector<128x128xf32> -> vector<128x128xf32>
    %add3A = arith.addf %dot_general3A_5, %dot_general3A_13 : vector<128x128xf32>
    %get3A_14 = arith.constant 0 : index
    %get3A_15 = arith.constant 0 : index
    %get3A_16 = vector.load %arg6[%get3A_14, %get3A_15] : memref<1x128xf32, #tpu.memory_space<vmem>>, vector<1x128xf32>
    %add3A_17 = vector.broadcast %get3A_16 : vector<1x128xf32> to vector<128x128xf32>
    %add3A_18 = arith.addf %add3A, %add3A_17 : vector<128x128xf32>
    %max3A = arith.constant 0.000000e+00 : f32
    %max3A_19 = vector.broadcast %max3A : f32 to vector<128x128xf32>
    %max3A_20 = arith.maximumf %add3A_18, %max3A_19 : vector<128x128xf32>
    %get3A_21 = arith.constant 0 : index
    %get3A_22 = arith.constant 0 : index
    %get3A_23 = vector.load %arg7[%get3A_21, %get3A_22] : memref<128x128xf32, #tpu.memory_space<vmem>>, vector<128x128xf32>
    %dot_general3A_24 = arith.constant dense<0.000000e+00> : vector<128x128xf32>
    %dot_general3A_25 = tpu.matmul %max3A_20, %get3A_23, %dot_general3A_24 {dimension_numbers = #tpu.dot_dimension_numbers<[1], [0], [0], [1], [0, 0, 1, 1], [], []>, transpose_lhs_hint = false} : vector<128x128xf32>, vector<128x128xf32>, vector<128x128xf32> -> vector<128x128xf32>
    %get3A_26 = arith.constant 0 : index
    %get3A_27 = arith.constant 0 : index
    %get3A_28 = vector.load %arg8[%get3A_26, %get3A_27] : memref<1x128xf32, #tpu.memory_space<vmem>>, vector<1x128xf32>
    %add3A_29 = vector.broadcast %get3A_28 : vector<1x128xf32> to vector<128x128xf32>
    %add3A_30 = arith.addf %dot_general3A_25, %add3A_29 : vector<128x128xf32>
    %get3A_31 = arith.constant 0 : index
    %get3A_32 = arith.constant 0 : index
    %get3A_33 = vector.load %arg3[%get3A_31, %get3A_32] : memref<128x1xi32, #tpu.memory_space<vmem>>, vector<128x1xi32>
    %iota3A = tpu.iota {dimensions = array<i32: 1>} : vector<1x32xi32>
    %eq3A = vector.broadcast %get3A_33 : vector<128x1xi32> to vector<128x32xi32>
    %eq3A_34 = vector.broadcast %iota3A : vector<1x32xi32> to vector<128x32xi32>
    %eq3A_35 = arith.cmpi eq, %eq3A, %eq3A_34 : vector<128x32xi32>
    %convert_element_type3A = arith.extui %eq3A_35 : vector<128x32xi1> to vector<128x32xi32>
    %convert_element_type3A_36 = arith.sitofp %convert_element_type3A : vector<128x32xi32> to vector<128x32xf32>
    %dot_general3A_37 = arith.constant dense<0.000000e+00> : vector<32x128xf32>
    %dot_general3A_38 = tpu.matmul %convert_element_type3A_36, %add3A_30, %dot_general3A_37 {dimension_numbers = #tpu.dot_dimension_numbers<[0], [0], [1], [1], [0, 1, 1, 1], [], []>, transpose_lhs_hint = false} : vector<128x32xf32>, vector<128x128xf32>, vector<32x128xf32> -> vector<32x128xf32>
    %eq3A_39 = arith.constant 0 : i32
    %eq3A_40 = arith.cmpi eq, %arg0, %eq3A_39 : i32
    %convert_element_type3A_41 = arith.extui %eq3A_40 : i1 to i32
    %cond3A = arith.constant 0 : i32
    %cond3A_42 = arith.cmpi ne, %convert_element_type3A_41, %cond3A : i32
    scf.if %cond3A_42 {
      %broadcast_in_dim3A = arith.constant 0.000000e+00 : f32
      %broadcast_in_dim3A_54 = vector.broadcast %broadcast_in_dim3A : f32 to vector<32x128xf32>
      %swap3A_55 = arith.constant 0 : index
      %swap3A_56 = arith.constant 0 : index
      %swap3A_57 = vector.load %arg17[%swap3A_55, %swap3A_56] : memref<32x128xf32, #tpu.memory_space<vmem>>, vector<32x128xf32>
      tpu.vector_store %arg17[%swap3A_55, %swap3A_56], %broadcast_in_dim3A_54 {strides = array<i32>} : memref<32x128xf32, #tpu.memory_space<vmem>>, vector<32x128xf32>,
    } else {
    }
    %get3A_43 = arith.constant 0 : index
    %get3A_44 = arith.constant 0 : index
    %get3A_45 = vector.load %arg17[%get3A_43, %get3A_44] : memref<32x128xf32, #tpu.memory_space<vmem>>, vector<32x128xf32>
    %add3A_46 = arith.addf %get3A_45, %dot_general3A_38 : vector<32x128xf32>
    %swap3A = arith.constant 0 : index
    %swap3A_47 = arith.constant 0 : index
    %swap3A_48 = vector.load %arg17[%swap3A, %swap3A_47] : memref<32x128xf32, #tpu.memory_space<vmem>>, vector<32x128xf32>
    tpu.vector_store %arg17[%swap3A, %swap3A_47], %add3A_46 {strides = array<i32>} : memref<32x128xf32, #tpu.memory_space<vmem>>, vector<32x128xf32>,
    %eq3A_49 = arith.constant 51 : i32
    %eq3A_50 = arith.cmpi eq, %arg0, %eq3A_49 : i32
    %convert_element_type3A_51 = arith.extui %eq3A_50 : i1 to i32
    %cond3A_52 = arith.constant 0 : i32
    %cond3A_53 = arith.cmpi ne, %convert_element_type3A_51, %cond3A_52 : i32
    scf.if %cond3A_53 {
      %get3A_54 = arith.constant 0 : index
      %get3A_55 = arith.constant 0 : index
      %get3A_56 = vector.load %arg17[%get3A_54, %get3A_55] : memref<32x128xf32, #tpu.memory_space<vmem>>, vector<32x128xf32>
      %get3A_57 = arith.constant 0 : index
      %get3A_58 = arith.constant 0 : index
      %get3A_59 = vector.load %arg10[%get3A_57, %get3A_58] : memref<128x128xf32, #tpu.memory_space<vmem>>, vector<128x128xf32>
      %dot_general3A_60 = arith.constant dense<0.000000e+00> : vector<32x128xf32>
      %dot_general3A_61 = tpu.matmul %get3A_56, %get3A_59, %dot_general3A_60 {dimension_numbers = #tpu.dot_dimension_numbers<[1], [0], [0], [1], [0, 0, 1, 1], [], []>, transpose_lhs_hint = false} : vector<32x128xf32>, vector<128x128xf32>, vector<32x128xf32> -> vector<32x128xf32>
      %get3A_62 = arith.constant 0 : index
      %get3A_63 = arith.constant 0 : index
      %get3A_64 = vector.load %arg9[%get3A_62, %get3A_63] : memref<32x8xf32, #tpu.memory_space<vmem>>, vector<32x8xf32>
      %get3A_65 = arith.constant 0 : index
      %get3A_66 = arith.constant 0 : index
      %get3A_67 = vector.load %arg11[%get3A_65, %get3A_66] : memref<8x128xf32, #tpu.memory_space<vmem>>, vector<8x128xf32>
      %dot_general3A_68 = arith.constant dense<0.000000e+00> : vector<32x128xf32>
      %dot_general3A_69 = tpu.matmul %get3A_64, %get3A_67, %dot_general3A_68 {dimension_numbers = #tpu.dot_dimension_numbers<[1], [0], [0], [1], [0, 0, 1, 1], [], []>, transpose_lhs_hint = false} : vector<32x8xf32>, vector<8x128xf32>, vector<32x128xf32> -> vector<32x128xf32>
      %add3A_70 = arith.addf %dot_general3A_61, %dot_general3A_69 : vector<32x128xf32>
      %get3A_71 = arith.constant 0 : index
      %get3A_72 = arith.constant 0 : index
      %get3A_73 = vector.load %arg12[%get3A_71, %get3A_72] : memref<1x128xf32, #tpu.memory_space<vmem>>, vector<1x128xf32>
      %add3A_74 = vector.broadcast %get3A_73 : vector<1x128xf32> to vector<32x128xf32>
      %add3A_75 = arith.addf %add3A_70, %add3A_74 : vector<32x128xf32>
      %custom_jvp_call3A = arith.constant 0.000000e+00 : f32
      %max3A_76 = vector.broadcast %custom_jvp_call3A : f32 to vector<32x128xf32>
      %max3A_77 = arith.maximumf %add3A_75, %max3A_76 : vector<32x128xf32>
      %sub3A = vector.broadcast %custom_jvp_call3A : f32 to vector<32x128xf32>
      %sub3A_78 = arith.subf %add3A_75, %sub3A : vector<32x128xf32>
      %ne3A = arith.cmpf one, %sub3A_78, %sub3A_78 : vector<32x128xf32>
      %add3A_79 = vector.broadcast %custom_jvp_call3A : f32 to vector<32x128xf32>
      %add3A_80 = arith.addf %add3A_75, %add3A_79 : vector<32x128xf32>
      %abs3A = math.absf %sub3A_78 : vector<32x128xf32>
      %neg3A = arith.constant 0.000000e+00 : f32
      %neg3A_81 = vector.broadcast %neg3A : f32 to vector<32x128xf32>
      %neg3A_82 = arith.subf %neg3A_81, %abs3A : vector<32x128xf32>
      %exp3A = math.exp %neg3A_82 : vector<32x128xf32>
      %log1p3A = math.log1p %exp3A : vector<32x128xf32>
      %add3A_83 = arith.addf %max3A_77, %log1p3A : vector<32x128xf32>
      %select_n3A = arith.select %ne3A, %add3A_80, %add3A_83 : vector<32x128xi1>, vector<32x128xf32>
      %log3A = arith.constant 2.000000e+00 : f32
      %log3A_84 = math.log %log3A : f32
      %sub3A_85 = vector.broadcast %log3A_84 : f32 to vector<32x128xf32>
      %sub3A_86 = arith.subf %select_n3A, %sub3A_85 : vector<32x128xf32>
      %get3A_87 = arith.constant 0 : index
      %get3A_88 = arith.constant 0 : index
      %get3A_89 = vector.load %arg13[%get3A_87, %get3A_88] : memref<128x2xf32, #tpu.memory_space<vmem>>, vector<128x2xf32>
      %dot_general3A_90 = arith.constant dense<0.000000e+00> : vector<32x2xf32>
      %dot_general3A_91 = tpu.matmul %sub3A_86, %get3A_89, %dot_general3A_90 {dimension_numbers = #tpu.dot_dimension_numbers<[1], [0], [0], [1], [0, 0, 1, 1], [], []>, transpose_lhs_hint = false} : vector<32x128xf32>, vector<128x2xf32>, vector<32x2xf32> -> vector<32x2xf32>
      %get3A_92 = arith.constant 0 : index
      %get3A_93 = arith.constant 0 : index
      %get3A_94 = vector.load %arg14[%get3A_92, %get3A_93] : memref<1x2xf32, #tpu.memory_space<vmem>>, vector<1x2xf32>
      %add3A_95 = vector.broadcast %get3A_94 : vector<1x2xf32> to vector<32x2xf32>
      %add3A_96 = arith.addf %dot_general3A_91, %add3A_95 : vector<32x2xf32>
      %get3A_97 = arith.constant 0 : index
      %get3A_98 = arith.constant 0 : index
      %get3A_99 = vector.load %arg15[%get3A_97, %get3A_98] : memref<32x1xi32, #tpu.memory_space<vmem>>, vector<32x1xi32>
      %sub3A_100 = arith.constant 1 : i32
      %sub3A_101 = vector.broadcast %sub3A_100 : i32 to vector<32x1xi32>
      %sub3A_102 = arith.subi %get3A_99, %sub3A_101 : vector<32x1xi32>
      %iota3A_103 = tpu.iota {dimensions = array<i32: 1>} : vector<32x2xi32>
      %eq3A_104 = vector.broadcast %sub3A_102 : vector<32x1xi32> to vector<32x2xi32>
      %eq3A_105 = arith.cmpi eq, %eq3A_104, %iota3A_103 : vector<32x2xi32>
      %convert_element_type3A_106 = arith.extui %eq3A_105 : vector<32x2xi1> to vector<32x2xi32>
      %convert_element_type3A_107 = arith.sitofp %convert_element_type3A_106 : vector<32x2xi32> to vector<32x2xf32>
      %mul3A = arith.mulf %add3A_96, %convert_element_type3A_107 : vector<32x2xf32>
      %reduce_sum3A = arith.constant dense<0.000000e+00> : vector<32xf32>
      %reduce_sum3A_108 = vector.multi_reduction <add>, %mul3A, %reduce_sum3A [1] : vector<32x2xf32> to vector<32xf32>
      %broadcast_in_dim3A = vector.shape_cast %reduce_sum3A_108 : vector<32xf32> to vector<32x1xf32>
      %swap3A_109 = arith.constant 0 : index
      %swap3A_110 = arith.constant 0 : index
      %swap3A_111 = vector.load %arg16[%swap3A_109, %swap3A_110] : memref<32x1xf32, #tpu.memory_space<vmem>>, vector<32x1xf32>
      tpu.vector_store %arg16[%swap3A_109, %swap3A_110], %broadcast_in_dim3A {strides = array<i32>} : memref<32x1xf32, #tpu.memory_space<vmem>>, vector<32x1xf32>,
    } else {
    }
    return
  }
  func.func @transform_0(%arg0: i32) -> (i32, i32) {
    %c0_i32 = arith.constant 0 : i32
    %c0_i32_0 = arith.constant 0 : i32
    return %arg0, %c0_i32 : i32, i32
  }
  func.func @transform_1(%arg0: i32) -> (i32, i32) {
    %c0_i32 = arith.constant 0 : i32
    %c0_i32_0 = arith.constant 0 : i32
    return %arg0, %c0_i32 : i32, i32
  }
  func.func @transform_2(%arg0: i32) -> (i32, i32) {
    %c0_i32 = arith.constant 0 : i32
    %c0_i32_0 = arith.constant 0 : i32
    return %arg0, %c0_i32 : i32, i32
  }
  func.func @transform_3(%arg0: i32) -> (i32, i32) {
    %c0_i32 = arith.constant 0 : i32
    %c0_i32_0 = arith.constant 0 : i32
    %c0_i32_1 = arith.constant 0 : i32
    return %c0_i32, %c0_i32_0 : i32, i32
  }
  func.func @transform_4(%arg0: i32) -> (i32, i32) {
    %c0_i32 = arith.constant 0 : i32
    %c0_i32_0 = arith.constant 0 : i32
    %c0_i32_1 = arith.constant 0 : i32
    return %c0_i32, %c0_i32_0 : i32, i32
  }
  func.func @transform_5(%arg0: i32) -> (i32, i32) {
    %c0_i32 = arith.constant 0 : i32
    %c0_i32_0 = arith.constant 0 : i32
    %c0_i32_1 = arith.constant 0 : i32
    return %c0_i32, %c0_i32_0 : i32, i32
  }
  func.func @transform_6(%arg0: i32) -> (i32, i32) {
    %c0_i32 = arith.constant 0 : i32
    %c0_i32_0 = arith.constant 0 : i32
    %c0_i32_1 = arith.constant 0 : i32
    return %c0_i32, %c0_i32_0 : i32, i32
  }
  func.func @transform_7(%arg0: i32) -> (i32, i32) {
    %c0_i32 = arith.constant 0 : i32
    %c0_i32_0 = arith.constant 0 : i32
    %c0_i32_1 = arith.constant 0 : i32
    return %c0_i32, %c0_i32_0 : i32, i32
  }
  func.func @transform_8(%arg0: i32) -> (i32, i32) {
    %c0_i32 = arith.constant 0 : i32
    %c0_i32_0 = arith.constant 0 : i32
    %c0_i32_1 = arith.constant 0 : i32
    return %c0_i32, %c0_i32_0 : i32, i32
  }
  func.func @transform_9(%arg0: i32) -> (i32, i32) {
    %c0_i32 = arith.constant 0 : i32
    %c0_i32_0 = arith.constant 0 : i32
    %c0_i32_1 = arith.constant 0 : i32
    return %c0_i32, %c0_i32_0 : i32, i32
  }
  func.func @transform_10(%arg0: i32) -> (i32, i32) {
    %c0_i32 = arith.constant 0 : i32
    %c0_i32_0 = arith.constant 0 : i32
    %c0_i32_1 = arith.constant 0 : i32
    return %c0_i32, %c0_i32_0 : i32, i32
  }
  func.func @transform_11(%arg0: i32) -> (i32, i32) {
    %c0_i32 = arith.constant 0 : i32
    %c0_i32_0 = arith.constant 0 : i32
    %c0_i32_1 = arith.constant 0 : i32
    return %c0_i32, %c0_i32_0 : i32, i32
  }
  func.func @transform_12(%arg0: i32) -> (i32, i32) {
    %c0_i32 = arith.constant 0 : i32
    %c0_i32_0 = arith.constant 0 : i32
    %c0_i32_1 = arith.constant 0 : i32
    return %c0_i32, %c0_i32_0 : i32, i32
  }
  func.func @transform_13(%arg0: i32) -> (i32, i32) {
    %c0_i32 = arith.constant 0 : i32
    %c0_i32_0 = arith.constant 0 : i32
    %c0_i32_1 = arith.constant 0 : i32
    return %c0_i32, %c0_i32_0 : i32, i32
  }
  func.func @transform_14(%arg0: i32) -> (i32, i32) {
    %c0_i32 = arith.constant 0 : i32
    %c0_i32_0 = arith.constant 0 : i32
    %c0_i32_1 = arith.constant 0 : i32
    return %c0_i32, %c0_i32_0 : i32, i32
  }
  func.func @transform_15(%arg0: i32) -> (i32, i32) {
    %c0_i32 = arith.constant 0 : i32
    %c0_i32_0 = arith.constant 0 : i32
    %c0_i32_1 = arith.constant 0 : i32
    return %c0_i32, %c0_i32_0 : i32, i32
  }
}

</mosaic_0001>

<sc_bundles>
// kernel: gather_offload_async_start.1
scs
__scs_entry_jumppad:
0x0: {  	(pc) =	sbr.rel $0x88, $3  }
0x1: {  	(tag) =	ssettag $0x0;
	lr =	simm.s32 $0x1  }
0x2: {  	[smem:$0x3F6D] =	sst lr;
	_ =	strace $0xD0000000  }
0x3: {  	_ = 	snop  }
0x4: {  	_ = 	snop  }
0x5: {  	_ = 	snop  }
0x6: {  	_ = 	snop  }
0x7: {  	_ = 	snop  }
__scs_overlays_trampoline_lowered:
0x8: {  	[smem:$0x3F7C] =	sst s0  }
0x9: {  	[smem:$0x3F7D] =	sst s1  }
0xa: {  	[smem:$0x3F7E] =	sst s2  }
0xb: {  	[smem:$0x3F7F] =	sst s3  }
0xc: {  	[smem:$0x3F80] =	sst s4  }
0xd: {  	[smem:$0x3F81] =	sst s5  }
0xe: {  	[smem:$0x3F82] =	sst s6  }
0xf: {  	[smem:$0x3F83] =	sst s7  }
0x10: {  	[smem:$0x3F84] =	sst s8  }
0x11: {  	[smem:$0x3F85] =	sst s9;
	s0 =	simm.s32 @!p0 $0x0  }
0x12: {  	s1 =	sld [smem:$0x3F6B];
	s0 =	simm.s32 @p0 $0x1  }
0x13: {  	[smem:$0x3F86] =	sst s0;
	s0 =	simm.s32 @!p1 $0x0  }
0x14: {  	s2 =	sld [smem:$0x3F6A];
	s0 =	simm.s32 @p1 $0x1  }
0x15: {  	[smem:$0x3F87] =	sst s0;
	s0 =	simm.s32 @!p2 $0x0  }
0x16: {  	s3 =	sld [smem:$0x3FDB];
	s0 =	simm.s32 @p2 $0x1  }
0x17: {  	s4 =	simm.s32 $0x1BF5;
	[smem:$0x3F89] =	sst s0  }
0x18: {  	s0 =	sld [smem:$0x3F6C];
	_ =	swait.ge [sflag:s4], $0x0  }
0x19: {  	s7 =	sld [smem:$0x3F6D]  }
0x1a: {  	s8 =	sadd.s32 $0xFFFFE003, lr  }
0x1b: {  	s9 =	sadd.s32 $0xFFFFFEF7, lr;
	s5 =	simm.s32 $0xFFFFFFFF;
	p2 =	slt.u32 s8, $0xFFFFF086  }
0x1c: {  	p1 =	slt.u32 s9, $0xF7A;
	s5 =	simm.s32 @!p2 $0x0  }
0x1d: {  	s5 =	simm.s32 @p1 $0x1;
	p0 =	seq.s32 s7, s2  }
0x1e: {  	s7 =	smul.u32 @!p0 $0xF7A, s2;
	p2 =	seq.s32 @!p0 s5, $0x0  }
0x1f: {  	s9 =	smul.u32 $0xF7A, s1;
	s8 =	simm.s32 @!p0 $0x1BF5;
	p2 =	por !p2, p0  }
0x20: {  	[sflag:s8] =	ssyncset.s32 @!p0 $0xFFFFF086;
	s6 =	sadd.s32 @!p0 s3, s7;
	s7 =	simm.s32 @!p0 $0x108  }
0x21: {  	s3 =	sadd.s32 s3, s9;
	s6 =	sadd.s32 @!p0 $0x88, s6;
	s7 =	simm.s32 @p2 $0x1082  }
0x22: {  	[simem:s7], [sflag:s8] =	dma.local @!p0 [hbm:s6], $0xF7A  }
0x23: {  	s9 =	sor.u32 $0xD0000000, s2;
	s6 =	simm.s32 $0x108;
	_ =	swait.ge @!p0 [sflag:s8], $0x0  }
0x24: {  	s3 =	sadd.s32 $0x88, s3;
	s6 =	simm.s32 @!p1 $0x1082;
	[sflag:s4] =	ssyncset.s32 $0xFFFFF086  }
0x25: {  	[simem:s6], [sflag:s4] =	dma.local [hbm:s3], $0xF7A  }
0x26: {  	[smem:$0x3F6D] =	sst s1;
	(tag) =	ssettag s2;
	_ =	strace s9  }
0x27: {  	s1 =	sld [smem:$0x3F7D]  }
0x28: {  	s2 =	sld [smem:$0x3F7E]  }
0x29: {  	s4 =	sld [smem:$0x3F80]  }
0x2a: {  	p0 =	seq.s32 s5, $0x0;
	s5 =	sld [smem:$0x3F81]  }
0x2b: {  	s6 =	sld [smem:$0x3F82]  }
0x2c: {  	s7 =	sld [smem:$0x3F83]  }
0x2d: {  	s3 =	simm.s32 $0x108;
	s8 =	sld [smem:$0x3F84]  }
0x2e: {  	s3 =	simm.s32 @!p0 $0x1082;
	s9 =	sld [smem:$0x3F85]  }
0x2f: {  	lr =	sadd.s32 s0, s3;
	s0 =	sld [smem:$0x3F7C]  }
0x30: {  	s3 =	sld [smem:$0x3F7F]  }
0x31: {  	[smem:$0x3F88] =	sst s10  }
0x32: {  	s10 =	sld [smem:$0x3F86];
	_ =	sdelay $0x3  }
0x33: {  	p0 =	seq.s32 s10, $0x1;
	s10 =	sld [smem:$0x3F88];
	_ =	sdelay $0x3  }
0x34: {  	[smem:$0x3F88] =	sst s10  }
0x35: {  	s10 =	sld [smem:$0x3F87];
	_ =	sdelay $0x3  }
0x36: {  	p1 =	seq.s32 s10, $0x1;
	s10 =	sld [smem:$0x3F88];
	_ =	sdelay $0x3  }
0x37: {  	[smem:$0x3F88] =	sst s10  }
0x38: {  	s10 =	sld [smem:$0x3F89]  }
0x39: {  	_ = 	snop;
	(pc) =	sbr.ind lr, $3  }
0x3a: {  	_ = 	snop  }
0x3b: {  	_ = 	snop  }
0x3c: {  	p2 =	seq.s32 s10, $0x1;
	s10 =	sld [smem:$0x3F88]  }
0x3d: {  	_ =	shalt  }
0x3e: {  	_ =	shalt  }
0x3f: {  	_ =	shalt  }
0x40: {  	_ =	shalt  }
0x41: {  	_ =	shalt  }
0x42: {  	_ =	shalt  }
0x43: {  	_ =	shalt  }
0x44: {  	_ =	shalt  }
0x45: {  	_ =	shalt  }
0x46: {  	_ =	shalt  }
0x47: {  	_ =	shalt  }
0x48: {  	_ =	shalt  }
0x49: {  	_ =	shalt  }
0x4a: {  	_ =	shalt  }
0x4b: {  	_ =	shalt  }
0x4c: {  	_ =	shalt  }
0x4d: {  	_ =	shalt  }
0x4e: {  	_ =	shalt  }
0x4f: {  	_ =	shalt  }
0x50: {  	_ =	shalt  }
0x51: {  	_ =	shalt  }
0x52: {  	_ =	shalt  }
0x53: {  	_ =	shalt  }
0x54: {  	_ =	shalt  }
0x55: {  	_ =	shalt  }
0x56: {  	_ =	shalt  }
0x57: {  	_ =	shalt  }
0x58: {  	_ =	shalt  }
0x59: {  	_ =	shalt  }
0x5a: {  	_ =	shalt  }
0x5b: {  	_ =	shalt  }
0x5c: {  	_ =	shalt  }
0x5d: {  	_ =	shalt  }
0x5e: {  	_ =	shalt  }
0x5f: {  	_ =	shalt  }
0x60: {  	_ =	shalt  }
0x61: {  	_ =	shalt  }
0x62: {  	_ =	shalt  }
0x63: {  	_ =	shalt  }
0x64: {  	_ =	shalt  }
0x65: {  	_ =	shalt  }
0x66: {  	_ =	shalt  }
0x67: {  	_ =	shalt  }
0x68: {  	_ =	shalt  }
0x69: {  	_ =	shalt  }
0x6a: {  	_ =	shalt  }
0x6b: {  	_ =	shalt  }
0x6c: {  	_ =	shalt  }
0x6d: {  	_ =	shalt  }
0x6e: {  	_ =	shalt  }
0x6f: {  	_ =	shalt  }
0x70: {  	_ =	shalt  }
0x71: {  	_ =	shalt  }
0x72: {  	_ =	shalt  }
0x73: {  	_ =	shalt  }
0x74: {  	_ =	shalt  }
0x75: {  	_ =	shalt  }
0x76: {  	_ =	shalt  }
0x77: {  	_ =	shalt  }
0x78: {  	_ =	shalt  }
0x79: {  	_ =	shalt  }
0x7a: {  	_ =	shalt  }
0x7b: {  	_ =	shalt  }
0x7c: {  	_ =	shalt  }
0x7d: {  	_ =	shalt  }
0x7e: {  	_ =	shalt  }
0x7f: {  	_ =	shalt  }
0x80: {  	_ =	shalt  }
0x81: {  	_ =	shalt  }
0x82: {  	_ =	shalt  }
0x83: {  	_ =	shalt  }
0x84: {  	_ =	shalt  }
0x85: {  	_ =	shalt  }
0x86: {  	_ =	shalt  }
0x87: {  	_ =	shalt  }
.Lfunc_end0:
.L_simem_size_0:
called_computation.1_lowered:
.L_overlay_start_0:
0x88: {  	s0 =	sld [smem:$0x3FD9]  }
0x89: {  	s1 =	sld [smem:$0x3FFE];
	_ =	sdelay $0x3  }
0x8a: {  	s0 =	sadd.s32 s1, s0  }
0x8b: {  	[smem:$0x3F94] =	sst s0  }
0x8c: {  	_ = 	snop  }
0x8d: {  	(tm) =	ssettm $0x1  }
0x8e: {  	s15 =	sld [smem:$0x3FFB];
	_ =	sdelay $0x3  }
0x8f: {  	_ =	strace s15  }
0x90: {  	s0 =	sld [smem:$0x3FFC];
	_ =	sdelay $0x3  }
0x91: {  	_ =	strace s0  }
0x92: {  	s0 =	sld [smem:$0x3FFD];
	_ =	sdelay $0x3  }
0x93: {  	_ =	strace s0  }
0x94: {  	_ =	strace $0x8FFFFFFF  }
0x95: {  	s16 =	sld [smem:$0x3FDB];
	_ =	sdelay $0x1  }
0x96: {  	s17 =	simm.s32 $_scs_section_size  }
0x97: {  	s2 =	simm.s32 $_size__tile_overlayer_lowered;
	s3 =	simm.s32 $_tile_overlayer_lowered  }
0x98: {  	s20 =	simm.s32 $0x1BFF;
	s19 =	sshll.u32 s3, $0x1;
	s0 =	sadd.s32 s17, s16  }
0x99: {  	s4 =	simm.s32 $0x0;
	s18 =	sshll.u32 s2, $0x1;
	s2 =	sadd.s32 s19, s0  }
0x9a: {  	[timem:s4], [sflag:s20] =	dma.local [hbm:s2], s18  }
0x9b: {  	_ =	swait.ge [sflag:s20], s18  }
0x9c: {  	s1 =	ssub.s32 $0x0, s18;
	[sflag:s20] =	ssyncset.done $0x0  }
0x9d: {  	[sflag:s20] =	ssyncadd.s32 s1;
	_ =	sdelay $0x1  }
0x9e: {  	s21 =	simm.s32 $0x1B8B  }
0x9f: {  	_ =	swait.ge [sflag:s21], $0x1  }
0xa0: {  	[sflag:s21] =	ssyncset.done $0x0  }
0xa1: {  	s23 =	simm.s32 $0x1B8E;
	s22 =	sld [smem:$0x3FFE];
	[sflag:s21] =	ssyncadd.s32 $0xFFFFFFFF  }
0xa2: {  	s24 =	simm.s32 $execute0_lowered;
	[smem:$0x3FD2] =	sst s23  }
0xa3: {  	s2 =	sshll.u32 s24, $0x1;
	_ =	strace $0x80000049;
	[dreg:$0x1] =	wrdreg $0xFFFFFFFF  }
0xa4: {  	s25 =	simm.s32 $_size_execute0_lowered;
	s0 =	sadd.s32 s0, s2;
	[dreg:$0x0] =	wrdreg $0x0  }
0xa5: {  	s2 =	sshll.u32 s25, $0x1;
	[dreg:$0x2] =	wrdreg s0  }
0xa6: {  	[dreg:$0x3] =	wrdreg s2  }
0xa7: {  	[dreg:$0x4] =	wrdreg $0xC0  }
0xa8: {  	_ =	task [dreg:s4], $0x5FFFF  }
0xa9: {  	[dreg:$0x1] =	wrdreg $0xFFFFFFFF  }
0xaa: {  	[dreg:$0x0] =	wrdreg $0x60  }
0xab: {  	[dreg:$0x2] =	wrdreg s22  }
0xac: {  	[dreg:$0x3] =	wrdreg $0x9  }
0xad: {  	_ =	task.clear_ibuf [dreg:s4], $0x4FFFF;
	_ =	strace $0x90000049  }
0xae: {  	s26 =	simm.s32 $0x9;
	_ =	strace $0x8000004B  }
0xaf: {  	_ =	swait.ge [sflag:s26], $0x1  }
0xb0: {  	[sflag:s26] =	ssyncadd.s32 $0xFFFFFFFF  }
0xb1: {  	_ =	strace $0x9000004B  }
0xb2: {  	_ =	sfence  }
0xb3: {  	s28 =	sld [smem:$0x0];
	_ =	sdelay $0x1  }
0xb4: {  	s29 =	srdreg.scid  }
0xb5: {  	s30 =	sshll.u32 s29, $0xD;
	s31 =	sshrl.u32 s29, $0x2  }
0xb6: {  	s1 =	sand.u32 $0x1, s29;
	s2 =	sand.u32 $0x4000, s30;
	s0 =	sadd.s32 s31, s28  }
0xb7: {  	s1 =	sor.u32 s2, s1;
	s0 =	sshll.u32 s0, $0x11  }
0xb8: {  	s0 =	sor.u32 s0, s1  }
0xb9: {  	s0 =	sadd.s32 $0x8F2B, s0  }
0xba: {  	[sflag:s0] =	ssyncadd.remote.s32 $0x1  }
0xbb: {  	_ =	sfence.sel $0xFFFF  }
0xbc: {  	[dreg:$0x0] =	wrdreg $0xFFFFFFFF;
	(pc) =	sbr.abs _section_cstart, $3  }
0xbd: {  	[dreg:$0x1] =	wrdreg $0xFFFFFFFF  }
0xbe: {  	_ =	task.clear_ibuf [dreg:s4], $0x2FFFF;
	_ =	strace $0x9FFFFFFF  }
0xbf: {  	(tm) =	ssettm $0x7FFFFFFF  }
tec
execute0_lowered:
.L_overlay_start_1:
0x0: {  	(tag) =	ssettag $0x1  }
0x1: {  	s0 =	stileid.u32  }
0x2: {  	s1 =	smin.u32 s0, $0x9  }
0x3: {  	s1 =	sadd.s32 s0, s1  }
0x4: {  	p0 =	slt.u32 s0, $0x9;
	s2 =	smul.u32 $0x108, s1;
	s1 =	simm.s32 $0x210  }
0x5: {  	s1 =	simm.s32 @!p0 $0x108  }
0x6: {  	s1 =	sadd.s32 s1, s2  }
0x7: {  	s3 =	smin.u32 s1, $0x19C8  }
0x8: {  	s7 =	ssub.s32 s3, s2  }
0x9: {  	p0 =	sgt.s32 s7, $0x0  }
0xa: {  	s7 =	simm.s32 @!p0 $0x0  }
0xb: {  	s31 =	smul.u32 $0xF83F, s7  }
0xc: {  	s9 =	rddreg [dreg:$0x0];
	s6 =	simm.s32 $0x1;
	s11 =	simm.s32 $0x3  }
0xd: {  	s13 =	simm.s32 $0x0;
	s12 =	simm.s32 $0x0;
	s8 =	sshrl.u32 s31, $0x18  }
0xe: {  	s4 =	sadd.s32 $0x9C00, s9;
	s5 =	sadd.s32 $0x9800, s9;
	s10 =	smul.u32 $0x108, s8  }
.Ltmp0:
0xf: {  	s9 =	sadd.s32 $0x3D800, s9;
	s1 =	rddreg [dreg:$0x1];
	(pc) =	sbr.rel .LBB2_1-.Ltmp0, $4  }
0x10: {  	_ =	strace $0x8000004A;
	p0 =	sne.s32 s7, s10;
	s10 =	simm.s32 $0x1  }
0x11: {  	[sflag:s6] =	ssyncpa.u1 $0x0;
	s7 =	simm.s32 $0x2;
	s10 =	simm.s32 @!p0 $0x0  }
0x12: {  	[sflag:s7] =	ssyncpa.u1 $0x0;
	p0 =	por $0x0, $0x0;
	s8 =	sadd.s32 s8, s10  }
0x13: {  	vm0 =	vmmov $0xff;
	vm1 =	vcmask $0x3F20;
	[sflag:s11] =	ssyncpa.u1 $0x0;
	s11 =	smov.u32 s2;
	s10 =	sadd.s32 $0x1, s8  }
.LBB2_6:
0x14: {  	[hbm:s17] =	stream.linear.scatter [tilespmem:s14], [sflag:$0x3], $0x400, $0x38;
	[tilespmem:$0x10A10] =	vst v63  }
.LBB2_7:
0x15: {  	s13 =	sadd.s32 $0x108, s11  }
0x16: {  	s15 =	smov.u32 s2;
	p2 =	slt.s32 s13, s3  }
0x17: {  	s15 =	smov.u32 @p2 s13;
	p2 =	sne.s32 s12, s10  }
.Ltmp1:
0x18: {  	p1 =	slt.u32 s12, $0x2;
	(pc) =	sbr.rel @!p2 .LBB2_8-.Ltmp1, $4  }
0x19: {  	s14 =	simm.s32 @!p1 $0x3  }
0x1a: {  	s16 =	sadd.s32 $0x1, s12;
	_ =	swait.ge @!p1 [sflag:s14], $0x8400  }
0x1b: {  	p0 =	por !p0, !p0;
	s13 =	smov.u32 s11;
	[sflag:s14] =	ssyncset.done @!p1 $0x0  }
0x1c: {  	s12 =	smov.u32 s16;
	s11 =	smov.u32 s15;
	[sflag:s14] =	ssyncadd.s32 @!p1 $0xFFFF7C00  }
.LBB2_1:
0x1d: {  	p1 =	sge.u32 s12, s8  }
0x1e: {  	s14 =	sxor.u32 @!p1 $0xFFFFFFFF, s12  }
0x1f: {  	s14 =	sand.u32 @!p1 $0x1, s14  }
0x20: {  	s14 =	smul.u32 @!p1 $0x420, s14  }
0x21: {  	s31 =	sadd.s32 $0xFFFFFFFF, s12;
	s15 =	sshrl.u32 @!p1 s11, $0x3  }
0x22: {  	s16 =	sand.u32 @!p1 $0x7, s11;
	s15 =	sadd.s32 @!p1 s5, s15;
	s14 =	sshrl.u32 @!p1 s14, $0x2  }
0x23: {  	[tilespmem:s14], [sflag:$0x2] =	stream.linear.gather @!p1 [hbm4b:s15+s16], $0x108, $0x38;
	[tilespmem:$0x10A10] =	vst v63  }
0x24: {  	p1 =	sge.u32 s31, s8  }
.Ltmp2:
0x25: {  	_ = 	snop;
	(pc) =	sbr.rel @p1 .LBB2_7-.Ltmp2, $1  }
0x26: {  	_ =	sdelay $0x3  }
0x27: {  	s14 =	simm.s32 $0x1  }
0x28: {  	s14 =	simm.s32 @!p0 $0x0  }
0x29: {  	s15 =	smul.u32 $0x420, s14  }
0x2a: {  	_ =	swait.ge [sflag:s7], $0x108  }
0x2b: {  	[sflag:s7] =	ssyncset.done $0x0;
	s16 =	sshrl.u32 s15, $0x2  }
0x2c: {  	[sflag:s7] =	ssyncadd.s32 $0xFFFFFEF8;
	s15 =	sadd.s32 $0x0, s16  }
0x2d: {  	v0 =	vld.msk [tilespmem:s15+$0x0 ss:$0x1], $0xffff;
	_ =	sdelay $0x4  }
0x2e: {  	vm2 =	vgt.s32 v0, $0x0  }
0x2f: {  	v0 =	vnsel vm2, $0x0, v0  }
0x30: {  	v0 =	vmin.u32 v0, $0x19C7  }
0x31: {  	v0 =	vshll.u32 v0, $0x4  }
0x32: {  	s14 =	smul.u32 $0x21000, s14  }
0x33: {  	s31 =	sand.u32 $0x1, s12  }
0x34: {  	s17 =	smul.u32 $0x420, s31;
	s14 =	sshrl.u32 s14, $0x2  }
0x35: {  	s19 =	smul.u32 $0x21000, s31;
	s14 =	sor.u32 $0x210, s14  }
0x36: {  	[tilespmem:s14], [sflag:$0x1] =	stream.indirect_vreg.gather [hbm:s4], $0x80, v0, vm0, $0x38;
	[tilespmem:$0x10A10] =	vst v63  }
0x37: {  	s18 =	sshrl.u32 s17, $0x2;
	s20 =	sadd.s32 $0x10, s16;
	s15 =	sadd.s32 $0x400, s14  }
0x38: {  	[tilespmem:s15], [sflag:$0x1] =	stream.indirect_vreg.gather [hbm:s4], $0x80, v0, vm1, $0x38;
	[tilespmem:$0x10A10] =	vst v63  }
0x39: {  	s17 =	sshrl.u32 s19, $0x2;
	s19 =	smov.u32 s14;
	v0 =	vld.msk [tilespmem:s20+$0x0 ss:$0x1], $0xffff;
	s20 =	simm.s32 $0x80  }
.LBB2_3:
0x3a: {  	p1 =	sne.s32 s20, $0x3C0;
	_ =	sdelay $0x4  }
0x3b: {  	vm2 =	vgt.s32 v0, $0x0  }
0x3c: {  	v0 =	vnsel vm2, $0x0, v0  }
0x3d: {  	v0 =	vmin.u32 v0, $0x19C7  }
0x3e: {  	v0 =	vshll.u32 v0, $0x4;
	_ =	sdelay $0x3  }
.Ltmp3:
0x3f: {  	s21 =	sshra.s32 s20, $0x2;
	s19 =	sadd.s32 $0x800, s19;
	(pc) =	sbr.rel @p1 .LBB2_3-.Ltmp3, $4  }
0x40: {  	[tilespmem:s19], [sflag:$0x1] =	stream.indirect_vreg.gather [hbm:s4], $0x80, v0, vm0, $0x38;
	[tilespmem:$0x10A10] =	vst v63  }
0x41: {  	s21 =	sadd.s32 s21, s16;
	s22 =	sadd.s32 $0x400, s19  }
0x42: {  	[tilespmem:s22], [sflag:$0x1] =	stream.indirect_vreg.gather [hbm:s4], $0x80, v0, vm1, $0x38;
	[tilespmem:$0x10A10] =	vst v63  }
0x43: {  	s20 =	sadd.s32 $0x40, s20;
	v0 =	vld.msk [tilespmem:s21+$0x0 ss:$0x1], $0xffff  }
0x44: {  	_ =	sdelay $0x3  }
0x45: {  	vm2 =	vgt.s32 v0, $0x0  }
0x46: {  	v0 =	vnsel vm2, $0x0, v0  }
0x47: {  	v0 =	vmin.u32 v0, $0x19C7  }
0x48: {  	v0 =	vshll.u32 v0, $0x4;
	_ =	sdelay $0x3  }
0x49: {  	s16 =	sadd.s32 $0x800, s19  }
0x4a: {  	[tilespmem:s16], [sflag:$0x1] =	stream.indirect_vreg.gather [hbm:s4], $0x80, v0, vm0, $0x38;
	[tilespmem:$0x10A10] =	vst v63  }
0x4b: {  	s16 =	sadd.s32 $0x400, s16  }
0x4c: {  	[tilespmem:s16], [sflag:$0x1] =	stream.indirect_vreg.gather [hbm:s4], $0x80, v0, vm1, $0x38;
	[tilespmem:$0x10A10] =	vst v63  }
0x4d: {  	v0 =	vld.msk [tilespmem:s18+$0x100 ss:$0x1], $0xff;
	_ =	sdelay $0x4  }
0x4e: {  	vm2 =	vgt.s32 v0, $0x0  }
0x4f: {  	v0 =	vnsel vm2, $0x0, v0  }
0x50: {  	v0 =	vmin.u32 v0, $0x19C7  }
0x51: {  	v0 =	vshll.u32 v0, $0x4;
	_ =	sdelay $0x3  }
0x52: {  	s31 =	sadd.s32 $0x8210, s17  }
0x53: {  	[tilespmem:s31], [sflag:$0x1] =	stream.indirect_vreg.gather [hbm:s4], $0x80, v0, vm0, $0x38;
	[tilespmem:$0x10A10] =	vst v63  }
0x54: {  	s13 =	sshll.u32 s13, $0x4;
	_ =	swait.ge [sflag:s6], $0x8400  }
0x55: {  	s13 =	sadd.s32 s13, s9;
	[sflag:s6] =	ssyncset.done $0x0  }
0x56: {  	s17 =	sadd.s32 $0x0, s13;
	s16 =	simm.s32 $0x80;
	[sflag:s6] =	ssyncadd.s32 $0xFFFF7C00  }
.LBB2_5:
0x57: {  	[hbm:s17] =	stream.linear.scatter [tilespmem:s14], [sflag:$0x3], $0x400, $0x38;
	[tilespmem:$0x10A10] =	vst v63  }
0x58: {  	s17 =	smov.u32 s16;
	s14 =	smov.u32 s15;
	p1 =	sne.s32 s16, $0x1000  }
.Ltmp4:
0x59: {  	s16 =	sadd.s32 $0x80, s16;
	(pc) =	sbr.rel @p1 .LBB2_5-.Ltmp4, $2  }
0x5a: {  	_ =	sdelay $0x2  }
0x5b: {  	s15 =	sadd.s32 $0x400, s15;
	s17 =	sadd.s32 s17, s13  }
.Ltmp5:
0x5c: {  	_ = 	snop;
	(pc) =	sbr.rel .LBB2_6-.Ltmp5, $1  }
0x5d: {  	_ =	sdelay $0x3  }
.LBB2_8:
0x5e: {  	_ =	sfence.sel $0x180000  }
0x5f: {  	s2 =	simm.s32 $0x2;
	[bflag:$0x0] =	sbarrier.arrive $0xFFFF  }
0x60: {  	s30 =	simm.s32 $0x3;
	[sflag:s2] =	ssyncpa.u1 $0x1  }
0x61: {  	s31 =	simm.s32 $0x1;
	[sflag:s30] =	ssyncpa.u1 $0x1  }
0x62: {  	[sflag:s31] =	ssyncpa.u1 $0x1  }
0x63: {  	p0 =	sne.s32 s0, $0x0;
	_ =	strace $0x9000004A  }
0x64: {  	s0 =	sadd.s32 @!p0 $0x100000, s1;
	[bflag:$0x2] =	sbarrier.arrive $0xFFFF  }
0x65: {  	[sflag:s0] =	ssyncadd.tile.s32 @!p0 $0x1;
	_ =	shalt  }
.Lfunc_end2:
_tile_overlayer_lowered:
.L_overlay_start_2:
0x66: {  	(tag) =	ssettag $0x2  }
0x67: {  	s0 =	rddreg [dreg:$0x0];
	s2 =	stileid.u32  }
0x68: {  	s1 =	rddreg [dreg:$0x1];
	p0 =	sne.s32 s2, $0x0  }
0x69: {  	s3 =	rddreg [dreg:$0x2];
	[bflag:$0x3] =	sbarrier.arrive $0xFFFF;
	s2 =	simm.s32 @!p0 $0x1C01  }
0x6a: {  	[timem:s3], [sflag:s2] =	dma.local @!p0 [hbm:s0], s1  }
0x6b: {  	s0 =	simm.s32 @!p0 $0x1  }
0x6c: {  	_ =	swait.ge @!p0 [sflag:s0], s1  }
0x6d: {  	s1 =	ssub.s32 @!p0 $0x0, s1;
	[sflag:s0] =	ssyncset.done @!p0 $0x0  }
0x6e: {  	[sflag:s0] =	ssyncadd.s32 @!p0 s1  }
0x6f: {  	[bflag:$0x3] =	sbarrier.arrive $0xFFFF  }
0x70: {  	_ =	shalt  }

// kernel: gather_offload_async_start.2
scs
__scs_entry_jumppad:
0x0: {  	(pc) =	sbr.rel $0x88, $3  }
0x1: {  	(tag) =	ssettag $0x0;
	lr =	simm.s32 $0x1  }
0x2: {  	[smem:$0x3F6D] =	sst lr;
	_ =	strace $0xD0000000  }
0x3: {  	_ = 	snop  }
0x4: {  	_ = 	snop  }
0x5: {  	_ = 	snop  }
0x6: {  	_ = 	snop  }
0x7: {  	_ = 	snop  }
__scs_overlays_trampoline_lowered:
0x8: {  	[smem:$0x3F7C] =	sst s0  }
0x9: {  	[smem:$0x3F7D] =	sst s1  }
0xa: {  	[smem:$0x3F7E] =	sst s2  }
0xb: {  	[smem:$0x3F7F] =	sst s3  }
0xc: {  	[smem:$0x3F80] =	sst s4  }
0xd: {  	[smem:$0x3F81] =	sst s5  }
0xe: {  	[smem:$0x3F82] =	sst s6  }
0xf: {  	[smem:$0x3F83] =	sst s7  }
0x10: {  	[smem:$0x3F84] =	sst s8  }
0x11: {  	[smem:$0x3F85] =	sst s9;
	s0 =	simm.s32 @!p0 $0x0  }
0x12: {  	s1 =	sld [smem:$0x3F6B];
	s0 =	simm.s32 @p0 $0x1  }
0x13: {  	[smem:$0x3F86] =	sst s0;
	s0 =	simm.s32 @!p1 $0x0  }
0x14: {  	s2 =	sld [smem:$0x3F6A];
	s0 =	simm.s32 @p1 $0x1  }
0x15: {  	[smem:$0x3F87] =	sst s0;
	s0 =	simm.s32 @!p2 $0x0  }
0x16: {  	s3 =	sld [smem:$0x3FDB];
	s0 =	simm.s32 @p2 $0x1  }
0x17: {  	s4 =	simm.s32 $0x1BF5;
	[smem:$0x3F89] =	sst s0  }
0x18: {  	s0 =	sld [smem:$0x3F6C];
	_ =	swait.ge [sflag:s4], $0x0  }
0x19: {  	s7 =	sld [smem:$0x3F6D]  }
0x1a: {  	s8 =	sadd.s32 $0xFFFFE003, lr  }
0x1b: {  	s9 =	sadd.s32 $0xFFFFFEF7, lr;
	s5 =	simm.s32 $0xFFFFFFFF;
	p2 =	slt.u32 s8, $0xFFFFF086  }
0x1c: {  	p1 =	slt.u32 s9, $0xF7A;
	s5 =	simm.s32 @!p2 $0x0  }
0x1d: {  	s5 =	simm.s32 @p1 $0x1;
	p0 =	seq.s32 s7, s2  }
0x1e: {  	s7 =	smul.u32 @!p0 $0xF7A, s2;
	p2 =	seq.s32 @!p0 s5, $0x0  }
0x1f: {  	s9 =	smul.u32 $0xF7A, s1;
	s8 =	simm.s32 @!p0 $0x1BF5;
	p2 =	por !p2, p0  }
0x20: {  	[sflag:s8] =	ssyncset.s32 @!p0 $0xFFFFF086;
	s6 =	sadd.s32 @!p0 s3, s7;
	s7 =	simm.s32 @!p0 $0x108  }
0x21: {  	s3 =	sadd.s32 s3, s9;
	s6 =	sadd.s32 @!p0 $0x88, s6;
	s7 =	simm.s32 @p2 $0x1082  }
0x22: {  	[simem:s7], [sflag:s8] =	dma.local @!p0 [hbm:s6], $0xF7A  }
0x23: {  	s9 =	sor.u32 $0xD0000000, s2;
	s6 =	simm.s32 $0x108;
	_ =	swait.ge @!p0 [sflag:s8], $0x0  }
0x24: {  	s3 =	sadd.s32 $0x88, s3;
	s6 =	simm.s32 @!p1 $0x1082;
	[sflag:s4] =	ssyncset.s32 $0xFFFFF086  }
0x25: {  	[simem:s6], [sflag:s4] =	dma.local [hbm:s3], $0xF7A  }
0x26: {  	[smem:$0x3F6D] =	sst s1;
	(tag) =	ssettag s2;
	_ =	strace s9  }
0x27: {  	s1 =	sld [smem:$0x3F7D]  }
0x28: {  	s2 =	sld [smem:$0x3F7E]  }
0x29: {  	s4 =	sld [smem:$0x3F80]  }
0x2a: {  	p0 =	seq.s32 s5, $0x0;
	s5 =	sld [smem:$0x3F81]  }
0x2b: {  	s6 =	sld [smem:$0x3F82]  }
0x2c: {  	s7 =	sld [smem:$0x3F83]  }
0x2d: {  	s3 =	simm.s32 $0x108;
	s8 =	sld [smem:$0x3F84]  }
0x2e: {  	s3 =	simm.s32 @!p0 $0x1082;
	s9 =	sld [smem:$0x3F85]  }
0x2f: {  	lr =	sadd.s32 s0, s3;
	s0 =	sld [smem:$0x3F7C]  }
0x30: {  	s3 =	sld [smem:$0x3F7F]  }
0x31: {  	[smem:$0x3F88] =	sst s10  }
0x32: {  	s10 =	sld [smem:$0x3F86];
	_ =	sdelay $0x3  }
0x33: {  	p0 =	seq.s32 s10, $0x1;
	s10 =	sld [smem:$0x3F88];
	_ =	sdelay $0x3  }
0x34: {  	[smem:$0x3F88] =	sst s10  }
0x35: {  	s10 =	sld [smem:$0x3F87];
	_ =	sdelay $0x3  }
0x36: {  	p1 =	seq.s32 s10, $0x1;
	s10 =	sld [smem:$0x3F88];
	_ =	sdelay $0x3  }
0x37: {  	[smem:$0x3F88] =	sst s10  }
0x38: {  	s10 =	sld [smem:$0x3F89]  }
0x39: {  	_ = 	snop;
	(pc) =	sbr.ind lr, $3  }
0x3a: {  	_ = 	snop  }
0x3b: {  	_ = 	snop  }
0x3c: {  	p2 =	seq.s32 s10, $0x1;
	s10 =	sld [smem:$0x3F88]  }
0x3d: {  	_ =	shalt  }
0x3e: {  	_ =	shalt  }
0x3f: {  	_ =	shalt  }
0x40: {  	_ =	shalt  }
0x41: {  	_ =	shalt  }
0x42: {  	_ =	shalt  }
0x43: {  	_ =	shalt  }
0x44: {  	_ =	shalt  }
0x45: {  	_ =	shalt  }
0x46: {  	_ =	shalt  }
0x47: {  	_ =	shalt  }
0x48: {  	_ =	shalt  }
0x49: {  	_ =	shalt  }
0x4a: {  	_ =	shalt  }
0x4b: {  	_ =	shalt  }
0x4c: {  	_ =	shalt  }
0x4d: {  	_ =	shalt  }
0x4e: {  	_ =	shalt  }
0x4f: {  	_ =	shalt  }
0x50: {  	_ =	shalt  }
0x51: {  	_ =	shalt  }
0x52: {  	_ =	shalt  }
0x53: {  	_ =	shalt  }
0x54: {  	_ =	shalt  }
0x55: {  	_ =	shalt  }
0x56: {  	_ =	shalt  }
0x57: {  	_ =	shalt  }
0x58: {  	_ =	shalt  }
0x59: {  	_ =	shalt  }
0x5a: {  	_ =	shalt  }
0x5b: {  	_ =	shalt  }
0x5c: {  	_ =	shalt  }
0x5d: {  	_ =	shalt  }
0x5e: {  	_ =	shalt  }
0x5f: {  	_ =	shalt  }
0x60: {  	_ =	shalt  }
0x61: {  	_ =	shalt  }
0x62: {  	_ =	shalt  }
0x63: {  	_ =	shalt  }
0x64: {  	_ =	shalt  }
0x65: {  	_ =	shalt  }
0x66: {  	_ =	shalt  }
0x67: {  	_ =	shalt  }
0x68: {  	_ =	shalt  }
0x69: {  	_ =	shalt  }
0x6a: {  	_ =	shalt  }
0x6b: {  	_ =	shalt  }
0x6c: {  	_ =	shalt  }
0x6d: {  	_ =	shalt  }
0x6e: {  	_ =	shalt  }
0x6f: {  	_ =	shalt  }
0x70: {  	_ =	shalt  }
0x71: {  	_ =	shalt  }
0x72: {  	_ =	shalt  }
0x73: {  	_ =	shalt  }
0x74: {  	_ =	shalt  }
0x75: {  	_ =	shalt  }
0x76: {  	_ =	shalt  }
0x77: {  	_ =	shalt  }
0x78: {  	_ =	shalt  }
0x79: {  	_ =	shalt  }
0x7a: {  	_ =	shalt  }
0x7b: {  	_ =	shalt  }
0x7c: {  	_ =	shalt  }
0x7d: {  	_ =	shalt  }
0x7e: {  	_ =	shalt  }
0x7f: {  	_ =	shalt  }
0x80: {  	_ =	shalt  }
0x81: {  	_ =	shalt  }
0x82: {  	_ =	shalt  }
0x83: {  	_ =	shalt  }
0x84: {  	_ =	shalt  }
0x85: {  	_ =	shalt  }
0x86: {  	_ =	shalt  }
0x87: {  	_ =	shalt  }
.Lfunc_end0:
.L_simem_size_0:
called_computation.2_lowered:
.L_overlay_start_0:
0x88: {  	s0 =	sld [smem:$0x3FD9]  }
0x89: {  	s1 =	sld [smem:$0x3FFE];
	_ =	sdelay $0x3  }
0x8a: {  	s0 =	sadd.s32 s1, s0  }
0x8b: {  	[smem:$0x3F94] =	sst s0  }
0x8c: {  	_ = 	snop  }
0x8d: {  	(tm) =	ssettm $0x1  }
0x8e: {  	s15 =	sld [smem:$0x3FFB];
	_ =	sdelay $0x3  }
0x8f: {  	_ =	strace s15  }
0x90: {  	s0 =	sld [smem:$0x3FFC];
	_ =	sdelay $0x3  }
0x91: {  	_ =	strace s0  }
0x92: {  	s0 =	sld [smem:$0x3FFD];
	_ =	sdelay $0x3  }
0x93: {  	_ =	strace s0  }
0x94: {  	_ =	strace $0x8FFFFFFF  }
0x95: {  	s16 =	sld [smem:$0x3FDB];
	_ =	sdelay $0x1  }
0x96: {  	s17 =	simm.s32 $_scs_section_size  }
0x97: {  	s2 =	simm.s32 $_size__tile_overlayer_lowered;
	s3 =	simm.s32 $_tile_overlayer_lowered  }
0x98: {  	s20 =	simm.s32 $0x1BFF;
	s19 =	sshll.u32 s3, $0x1;
	s0 =	sadd.s32 s17, s16  }
0x99: {  	s4 =	simm.s32 $0x0;
	s18 =	sshll.u32 s2, $0x1;
	s2 =	sadd.s32 s19, s0  }
0x9a: {  	[timem:s4], [sflag:s20] =	dma.local [hbm:s2], s18  }
0x9b: {  	_ =	swait.ge [sflag:s20], s18  }
0x9c: {  	s1 =	ssub.s32 $0x0, s18;
	[sflag:s20] =	ssyncset.done $0x0  }
0x9d: {  	[sflag:s20] =	ssyncadd.s32 s1;
	_ =	sdelay $0x1  }
0x9e: {  	s21 =	simm.s32 $0x1B8B  }
0x9f: {  	_ =	swait.ge [sflag:s21], $0x1  }
0xa0: {  	[sflag:s21] =	ssyncset.done $0x0  }
0xa1: {  	s23 =	simm.s32 $0x1B8E;
	s22 =	sld [smem:$0x3FFE];
	[sflag:s21] =	ssyncadd.s32 $0xFFFFFFFF  }
0xa2: {  	s24 =	simm.s32 $execute0_lowered;
	[smem:$0x3FD2] =	sst s23  }
0xa3: {  	s2 =	sshll.u32 s24, $0x1;
	_ =	strace $0x8000004C;
	[dreg:$0x1] =	wrdreg $0xFFFFFFFF  }
0xa4: {  	s25 =	simm.s32 $_size_execute0_lowered;
	s0 =	sadd.s32 s0, s2;
	[dreg:$0x0] =	wrdreg $0x0  }
0xa5: {  	s2 =	sshll.u32 s25, $0x1;
	[dreg:$0x2] =	wrdreg s0  }
0xa6: {  	[dreg:$0x3] =	wrdreg s2  }
0xa7: {  	[dreg:$0x4] =	wrdreg $0xC0  }
0xa8: {  	_ =	task [dreg:s4], $0x5FFFF  }
0xa9: {  	[dreg:$0x1] =	wrdreg $0xFFFFFFFF  }
0xaa: {  	[dreg:$0x0] =	wrdreg $0x60  }
0xab: {  	[dreg:$0x2] =	wrdreg s22  }
0xac: {  	[dreg:$0x3] =	wrdreg $0xA  }
0xad: {  	_ =	task.clear_ibuf [dreg:s4], $0x4FFFF;
	_ =	strace $0x9000004C  }
0xae: {  	s26 =	simm.s32 $0xA;
	_ =	strace $0x8000004E  }
0xaf: {  	_ =	swait.ge [sflag:s26], $0x1  }
0xb0: {  	[sflag:s26] =	ssyncadd.s32 $0xFFFFFFFF  }
0xb1: {  	_ =	strace $0x9000004E  }
0xb2: {  	_ =	sfence  }
0xb3: {  	s28 =	sld [smem:$0x0];
	_ =	sdelay $0x1  }
0xb4: {  	s29 =	srdreg.scid  }
0xb5: {  	s30 =	sshll.u32 s29, $0xD;
	s31 =	sshrl.u32 s29, $0x2  }
0xb6: {  	s1 =	sand.u32 $0x1, s29;
	s2 =	sand.u32 $0x4000, s30;
	s0 =	sadd.s32 s31, s28  }
0xb7: {  	s1 =	sor.u32 s2, s1;
	s0 =	sshll.u32 s0, $0x11  }
0xb8: {  	s0 =	sor.u32 s0, s1  }
0xb9: {  	s0 =	sadd.s32 $0x8F2B, s0  }
0xba: {  	[sflag:s0] =	ssyncadd.remote.s32 $0x1  }
0xbb: {  	_ =	sfence.sel $0xFFFF  }
0xbc: {  	[dreg:$0x0] =	wrdreg $0xFFFFFFFF;
	(pc) =	sbr.abs _section_cstart, $3  }
0xbd: {  	[dreg:$0x1] =	wrdreg $0xFFFFFFFF  }
0xbe: {  	_ =	task.clear_ibuf [dreg:s4], $0x2FFFF;
	_ =	strace $0x9FFFFFFF  }
0xbf: {  	(tm) =	ssettm $0x7FFFFFFF  }
tec
execute0_lowered:
.L_overlay_start_1:
0x0: {  	(tag) =	ssettag $0x1  }
0x1: {  	s0 =	stileid.u32  }
0x2: {  	s1 =	smin.u32 s0, $0x9  }
0x3: {  	s1 =	sadd.s32 s0, s1  }
0x4: {  	p0 =	slt.u32 s0, $0x9;
	s2 =	smul.u32 $0x108, s1;
	s1 =	simm.s32 $0x210  }
0x5: {  	s1 =	simm.s32 @!p0 $0x108  }
0x6: {  	s1 =	sadd.s32 s1, s2  }
0x7: {  	s3 =	smin.u32 s1, $0x19C8  }
0x8: {  	s7 =	ssub.s32 s3, s2  }
0x9: {  	p0 =	sgt.s32 s7, $0x0  }
0xa: {  	s7 =	simm.s32 @!p0 $0x0  }
0xb: {  	s31 =	smul.u32 $0xF83F, s7  }
0xc: {  	s9 =	rddreg [dreg:$0x0];
	s6 =	simm.s32 $0x1;
	s11 =	simm.s32 $0x3  }
0xd: {  	s13 =	simm.s32 $0x0;
	s12 =	simm.s32 $0x0;
	s8 =	sshrl.u32 s31, $0x18  }
0xe: {  	s4 =	sadd.s32 $0x23A00, s9;
	s5 =	sadd.s32 $0x9800, s9;
	s10 =	smul.u32 $0x108, s8  }
.Ltmp0:
0xf: {  	s9 =	sadd.s32 $0x57600, s9;
	s1 =	rddreg [dreg:$0x1];
	(pc) =	sbr.rel .LBB2_1-.Ltmp0, $4  }
0x10: {  	_ =	strace $0x8000004D;
	p0 =	sne.s32 s7, s10;
	s10 =	simm.s32 $0x1  }
0x11: {  	[sflag:s6] =	ssyncpa.u1 $0x0;
	s7 =	simm.s32 $0x2;
	s10 =	simm.s32 @!p0 $0x0  }
0x12: {  	[sflag:s7] =	ssyncpa.u1 $0x0;
	p0 =	por $0x0, $0x0;
	s8 =	sadd.s32 s8, s10  }
0x13: {  	vm0 =	vmmov $0xff;
	vm1 =	vcmask $0x3F20;
	[sflag:s11] =	ssyncpa.u1 $0x0;
	s11 =	smov.u32 s2;
	s10 =	sadd.s32 $0x1, s8  }
.LBB2_6:
0x14: {  	[hbm:s17] =	stream.linear.scatter [tilespmem:s14], [sflag:$0x3], $0x400, $0x38;
	[tilespmem:$0x10A10] =	vst v63  }
.LBB2_7:
0x15: {  	s13 =	sadd.s32 $0x108, s11  }
0x16: {  	s15 =	smov.u32 s2;
	p2 =	slt.s32 s13, s3  }
0x17: {  	s15 =	smov.u32 @p2 s13;
	p2 =	sne.s32 s12, s10  }
.Ltmp1:
0x18: {  	p1 =	slt.u32 s12, $0x2;
	(pc) =	sbr.rel @!p2 .LBB2_8-.Ltmp1, $4  }
0x19: {  	s14 =	simm.s32 @!p1 $0x3  }
0x1a: {  	s16 =	sadd.s32 $0x1, s12;
	_ =	swait.ge @!p1 [sflag:s14], $0x8400  }
0x1b: {  	p0 =	por !p0, !p0;
	s13 =	smov.u32 s11;
	[sflag:s14] =	ssyncset.done @!p1 $0x0  }
0x1c: {  	s12 =	smov.u32 s16;
	s11 =	smov.u32 s15;
	[sflag:s14] =	ssyncadd.s32 @!p1 $0xFFFF7C00  }
.LBB2_1:
0x1d: {  	p1 =	sge.u32 s12, s8  }
0x1e: {  	s14 =	sxor.u32 @!p1 $0xFFFFFFFF, s12  }
0x1f: {  	s14 =	sand.u32 @!p1 $0x1, s14  }
0x20: {  	s14 =	smul.u32 @!p1 $0x420, s14  }
0x21: {  	s31 =	sadd.s32 $0xFFFFFFFF, s12;
	s15 =	sshrl.u32 @!p1 s11, $0x3  }
0x22: {  	s16 =	sand.u32 @!p1 $0x7, s11;
	s15 =	sadd.s32 @!p1 s5, s15;
	s14 =	sshrl.u32 @!p1 s14, $0x2  }
0x23: {  	[tilespmem:s14], [sflag:$0x2] =	stream.linear.gather @!p1 [hbm4b:s15+s16], $0x108, $0x38;
	[tilespmem:$0x10A10] =	vst v63  }
0x24: {  	p1 =	sge.u32 s31, s8  }
.Ltmp2:
0x25: {  	_ = 	snop;
	(pc) =	sbr.rel @p1 .LBB2_7-.Ltmp2, $1  }
0x26: {  	_ =	sdelay $0x3  }
0x27: {  	s14 =	simm.s32 $0x1  }
0x28: {  	s14 =	simm.s32 @!p0 $0x0  }
0x29: {  	s15 =	smul.u32 $0x420, s14  }
0x2a: {  	_ =	swait.ge [sflag:s7], $0x108  }
0x2b: {  	[sflag:s7] =	ssyncset.done $0x0;
	s16 =	sshrl.u32 s15, $0x2  }
0x2c: {  	[sflag:s7] =	ssyncadd.s32 $0xFFFFFEF8;
	s15 =	sadd.s32 $0x0, s16  }
0x2d: {  	v0 =	vld.msk [tilespmem:s15+$0x0 ss:$0x1], $0xffff;
	_ =	sdelay $0x4  }
0x2e: {  	vm2 =	vgt.s32 v0, $0x0  }
0x2f: {  	v0 =	vnsel vm2, $0x0, v0  }
0x30: {  	v0 =	vmin.u32 v0, $0x19C7  }
0x31: {  	v0 =	vshll.u32 v0, $0x4  }
0x32: {  	s14 =	smul.u32 $0x21000, s14  }
0x33: {  	s31 =	sand.u32 $0x1, s12  }
0x34: {  	s17 =	smul.u32 $0x420, s31;
	s14 =	sshrl.u32 s14, $0x2  }
0x35: {  	s19 =	smul.u32 $0x21000, s31;
	s14 =	sor.u32 $0x210, s14  }
0x36: {  	[tilespmem:s14], [sflag:$0x1] =	stream.indirect_vreg.gather [hbm:s4], $0x80, v0, vm0, $0x38;
	[tilespmem:$0x10A10] =	vst v63  }
0x37: {  	s18 =	sshrl.u32 s17, $0x2;
	s20 =	sadd.s32 $0x10, s16;
	s15 =	sadd.s32 $0x400, s14  }
0x38: {  	[tilespmem:s15], [sflag:$0x1] =	stream.indirect_vreg.gather [hbm:s4], $0x80, v0, vm1, $0x38;
	[tilespmem:$0x10A10] =	vst v63  }
0x39: {  	s17 =	sshrl.u32 s19, $0x2;
	s19 =	smov.u32 s14;
	v0 =	vld.msk [tilespmem:s20+$0x0 ss:$0x1], $0xffff;
	s20 =	simm.s32 $0x80  }
.LBB2_3:
0x3a: {  	p1 =	sne.s32 s20, $0x3C0;
	_ =	sdelay $0x4  }
0x3b: {  	vm2 =	vgt.s32 v0, $0x0  }
0x3c: {  	v0 =	vnsel vm2, $0x0, v0  }
0x3d: {  	v0 =	vmin.u32 v0, $0x19C7  }
0x3e: {  	v0 =	vshll.u32 v0, $0x4;
	_ =	sdelay $0x3  }
.Ltmp3:
0x3f: {  	s21 =	sshra.s32 s20, $0x2;
	s19 =	sadd.s32 $0x800, s19;
	(pc) =	sbr.rel @p1 .LBB2_3-.Ltmp3, $4  }
0x40: {  	[tilespmem:s19], [sflag:$0x1] =	stream.indirect_vreg.gather [hbm:s4], $0x80, v0, vm0, $0x38;
	[tilespmem:$0x10A10] =	vst v63  }
0x41: {  	s21 =	sadd.s32 s21, s16;
	s22 =	sadd.s32 $0x400, s19  }
0x42: {  	[tilespmem:s22], [sflag:$0x1] =	stream.indirect_vreg.gather [hbm:s4], $0x80, v0, vm1, $0x38;
	[tilespmem:$0x10A10] =	vst v63  }
0x43: {  	s20 =	sadd.s32 $0x40, s20;
	v0 =	vld.msk [tilespmem:s21+$0x0 ss:$0x1], $0xffff  }
0x44: {  	_ =	sdelay $0x3  }
0x45: {  	vm2 =	vgt.s32 v0, $0x0  }
0x46: {  	v0 =	vnsel vm2, $0x0, v0  }
0x47: {  	v0 =	vmin.u32 v0, $0x19C7  }
0x48: {  	v0 =	vshll.u32 v0, $0x4;
	_ =	sdelay $0x3  }
0x49: {  	s16 =	sadd.s32 $0x800, s19  }
0x4a: {  	[tilespmem:s16], [sflag:$0x1] =	stream.indirect_vreg.gather [hbm:s4], $0x80, v0, vm0, $0x38;
	[tilespmem:$0x10A10] =	vst v63  }
0x4b: {  	s16 =	sadd.s32 $0x400, s16  }
0x4c: {  	[tilespmem:s16], [sflag:$0x1] =	stream.indirect_vreg.gather [hbm:s4], $0x80, v0, vm1, $0x38;
	[tilespmem:$0x10A10] =	vst v63  }
0x4d: {  	v0 =	vld.msk [tilespmem:s18+$0x100 ss:$0x1], $0xff;
	_ =	sdelay $0x4  }
0x4e: {  	vm2 =	vgt.s32 v0, $0x0  }
0x4f: {  	v0 =	vnsel vm2, $0x0, v0  }
0x50: {  	v0 =	vmin.u32 v0, $0x19C7  }
0x51: {  	v0 =	vshll.u32 v0, $0x4;
	_ =	sdelay $0x3  }
0x52: {  	s31 =	sadd.s32 $0x8210, s17  }
0x53: {  	[tilespmem:s31], [sflag:$0x1] =	stream.indirect_vreg.gather [hbm:s4], $0x80, v0, vm0, $0x38;
	[tilespmem:$0x10A10] =	vst v63  }
0x54: {  	s13 =	sshll.u32 s13, $0x4;
	_ =	swait.ge [sflag:s6], $0x8400  }
0x55: {  	s13 =	sadd.s32 s13, s9;
	[sflag:s6] =	ssyncset.done $0x0  }
0x56: {  	s17 =	sadd.s32 $0x0, s13;
	s16 =	simm.s32 $0x80;
	[sflag:s6] =	ssyncadd.s32 $0xFFFF7C00  }
.LBB2_5:
0x57: {  	[hbm:s17] =	stream.linear.scatter [tilespmem:s14], [sflag:$0x3], $0x400, $0x38;
	[tilespmem:$0x10A10] =	vst v63  }
0x58: {  	s17 =	smov.u32 s16;
	s14 =	smov.u32 s15;
	p1 =	sne.s32 s16, $0x1000  }
.Ltmp4:
0x59: {  	s16 =	sadd.s32 $0x80, s16;
	(pc) =	sbr.rel @p1 .LBB2_5-.Ltmp4, $2  }
0x5a: {  	_ =	sdelay $0x2  }
0x5b: {  	s15 =	sadd.s32 $0x400, s15;
	s17 =	sadd.s32 s17, s13  }
.Ltmp5:
0x5c: {  	_ = 	snop;
	(pc) =	sbr.rel .LBB2_6-.Ltmp5, $1  }
0x5d: {  	_ =	sdelay $0x3  }
.LBB2_8:
0x5e: {  	_ =	sfence.sel $0x180000  }
0x5f: {  	s2 =	simm.s32 $0x2;
	[bflag:$0x0] =	sbarrier.arrive $0xFFFF  }
0x60: {  	s30 =	simm.s32 $0x3;
	[sflag:s2] =	ssyncpa.u1 $0x1  }
0x61: {  	s31 =	simm.s32 $0x1;
	[sflag:s30] =	ssyncpa.u1 $0x1  }
0x62: {  	[sflag:s31] =	ssyncpa.u1 $0x1  }
0x63: {  	p0 =	sne.s32 s0, $0x0;
	_ =	strace $0x9000004D  }
0x64: {  	s0 =	sadd.s32 @!p0 $0x100000, s1;
	[bflag:$0x2] =	sbarrier.arrive $0xFFFF  }
0x65: {  	[sflag:s0] =	ssyncadd.tile.s32 @!p0 $0x1;
	_ =	shalt  }
.Lfunc_end2:
_tile_overlayer_lowered:
.L_overlay_start_2:
0x66: {  	(tag) =	ssettag $0x2  }
0x67: {  	s0 =	rddreg [dreg:$0x0];
	s2 =	stileid.u32  }
0x68: {  	s1 =	rddreg [dreg:$0x1];
	p0 =	sne.s32 s2, $0x0  }
0x69: {  	s3 =	rddreg [dreg:$0x2];
	[bflag:$0x3] =	sbarrier.arrive $0xFFFF;
	s2 =	simm.s32 @!p0 $0x1C01  }
0x6a: {  	[timem:s3], [sflag:s2] =	dma.local @!p0 [hbm:s0], s1  }
0x6b: {  	s0 =	simm.s32 @!p0 $0x1  }
0x6c: {  	_ =	swait.ge @!p0 [sflag:s0], s1  }
0x6d: {  	s1 =	ssub.s32 @!p0 $0x0, s1;
	[sflag:s0] =	ssyncset.done @!p0 $0x0  }
0x6e: {  	[sflag:s0] =	ssyncadd.s32 @!p0 s1  }
0x6f: {  	[bflag:$0x3] =	sbarrier.arrive $0xFFFF  }
0x70: {  	_ =	shalt  }

// kernel: gather_offload_async_start
scs
__scs_entry_jumppad:
0x0: {  	(pc) =	sbr.rel $0x88, $3  }
0x1: {  	(tag) =	ssettag $0x0;
	lr =	simm.s32 $0x1  }
0x2: {  	[smem:$0x3F6D] =	sst lr;
	_ =	strace $0xD0000000  }
0x3: {  	_ = 	snop  }
0x4: {  	_ = 	snop  }
0x5: {  	_ = 	snop  }
0x6: {  	_ = 	snop  }
0x7: {  	_ = 	snop  }
__scs_overlays_trampoline_lowered:
0x8: {  	[smem:$0x3F7C] =	sst s0  }
0x9: {  	[smem:$0x3F7D] =	sst s1  }
0xa: {  	[smem:$0x3F7E] =	sst s2  }
0xb: {  	[smem:$0x3F7F] =	sst s3  }
0xc: {  	[smem:$0x3F80] =	sst s4  }
0xd: {  	[smem:$0x3F81] =	sst s5  }
0xe: {  	[smem:$0x3F82] =	sst s6  }
0xf: {  	[smem:$0x3F83] =	sst s7  }
0x10: {  	[smem:$0x3F84] =	sst s8  }
0x11: {  	[smem:$0x3F85] =	sst s9;
	s0 =	simm.s32 @!p0 $0x0  }
0x12: {  	s1 =	sld [smem:$0x3F6B];
	s0 =	simm.s32 @p0 $0x1  }
0x13: {  	[smem:$0x3F86] =	sst s0;
	s0 =	simm.s32 @!p1 $0x0  }
0x14: {  	s2 =	sld [smem:$0x3F6A];
	s0 =	simm.s32 @p1 $0x1  }
0x15: {  	[smem:$0x3F87] =	sst s0;
	s0 =	simm.s32 @!p2 $0x0  }
0x16: {  	s3 =	sld [smem:$0x3FDB];
	s0 =	simm.s32 @p2 $0x1  }
0x17: {  	s4 =	simm.s32 $0x1BF5;
	[smem:$0x3F89] =	sst s0  }
0x18: {  	s0 =	sld [smem:$0x3F6C];
	_ =	swait.ge [sflag:s4], $0x0  }
0x19: {  	s7 =	sld [smem:$0x3F6D]  }
0x1a: {  	s8 =	sadd.s32 $0xFFFFE003, lr  }
0x1b: {  	s9 =	sadd.s32 $0xFFFFFEF7, lr;
	s5 =	simm.s32 $0xFFFFFFFF;
	p2 =	slt.u32 s8, $0xFFFFF086  }
0x1c: {  	p1 =	slt.u32 s9, $0xF7A;
	s5 =	simm.s32 @!p2 $0x0  }
0x1d: {  	s5 =	simm.s32 @p1 $0x1;
	p0 =	seq.s32 s7, s2  }
0x1e: {  	s7 =	smul.u32 @!p0 $0xF7A, s2;
	p2 =	seq.s32 @!p0 s5, $0x0  }
0x1f: {  	s9 =	smul.u32 $0xF7A, s1;
	s8 =	simm.s32 @!p0 $0x1BF5;
	p2 =	por !p2, p0  }
0x20: {  	[sflag:s8] =	ssyncset.s32 @!p0 $0xFFFFF086;
	s6 =	sadd.s32 @!p0 s3, s7;
	s7 =	simm.s32 @!p0 $0x108  }
0x21: {  	s3 =	sadd.s32 s3, s9;
	s6 =	sadd.s32 @!p0 $0x88, s6;
	s7 =	simm.s32 @p2 $0x1082  }
0x22: {  	[simem:s7], [sflag:s8] =	dma.local @!p0 [hbm:s6], $0xF7A  }
0x23: {  	s9 =	sor.u32 $0xD0000000, s2;
	s6 =	simm.s32 $0x108;
	_ =	swait.ge @!p0 [sflag:s8], $0x0  }
0x24: {  	s3 =	sadd.s32 $0x88, s3;
	s6 =	simm.s32 @!p1 $0x1082;
	[sflag:s4] =	ssyncset.s32 $0xFFFFF086  }
0x25: {  	[simem:s6], [sflag:s4] =	dma.local [hbm:s3], $0xF7A  }
0x26: {  	[smem:$0x3F6D] =	sst s1;
	(tag) =	ssettag s2;
	_ =	strace s9  }
0x27: {  	s1 =	sld [smem:$0x3F7D]  }
0x28: {  	s2 =	sld [smem:$0x3F7E]  }
0x29: {  	s4 =	sld [smem:$0x3F80]  }
0x2a: {  	p0 =	seq.s32 s5, $0x0;
	s5 =	sld [smem:$0x3F81]  }
0x2b: {  	s6 =	sld [smem:$0x3F82]  }
0x2c: {  	s7 =	sld [smem:$0x3F83]  }
0x2d: {  	s3 =	simm.s32 $0x108;
	s8 =	sld [smem:$0x3F84]  }
0x2e: {  	s3 =	simm.s32 @!p0 $0x1082;
	s9 =	sld [smem:$0x3F85]  }
0x2f: {  	lr =	sadd.s32 s0, s3;
	s0 =	sld [smem:$0x3F7C]  }
0x30: {  	s3 =	sld [smem:$0x3F7F]  }
0x31: {  	[smem:$0x3F88] =	sst s10  }
0x32: {  	s10 =	sld [smem:$0x3F86];
	_ =	sdelay $0x3  }
0x33: {  	p0 =	seq.s32 s10, $0x1;
	s10 =	sld [smem:$0x3F88];
	_ =	sdelay $0x3  }
0x34: {  	[smem:$0x3F88] =	sst s10  }
0x35: {  	s10 =	sld [smem:$0x3F87];
	_ =	sdelay $0x3  }
0x36: {  	p1 =	seq.s32 s10, $0x1;
	s10 =	sld [smem:$0x3F88];
	_ =	sdelay $0x3  }
0x37: {  	[smem:$0x3F88] =	sst s10  }
0x38: {  	s10 =	sld [smem:$0x3F89]  }
0x39: {  	_ = 	snop;
	(pc) =	sbr.ind lr, $3  }
0x3a: {  	_ = 	snop  }
0x3b: {  	_ = 	snop  }
0x3c: {  	p2 =	seq.s32 s10, $0x1;
	s10 =	sld [smem:$0x3F88]  }
0x3d: {  	_ =	shalt  }
0x3e: {  	_ =	shalt  }
0x3f: {  	_ =	shalt  }
0x40: {  	_ =	shalt  }
0x41: {  	_ =	shalt  }
0x42: {  	_ =	shalt  }
0x43: {  	_ =	shalt  }
0x44: {  	_ =	shalt  }
0x45: {  	_ =	shalt  }
0x46: {  	_ =	shalt  }
0x47: {  	_ =	shalt  }
0x48: {  	_ =	shalt  }
0x49: {  	_ =	shalt  }
0x4a: {  	_ =	shalt  }
0x4b: {  	_ =	shalt  }
0x4c: {  	_ =	shalt  }
0x4d: {  	_ =	shalt  }
0x4e: {  	_ =	shalt  }
0x4f: {  	_ =	shalt  }
0x50: {  	_ =	shalt  }
0x51: {  	_ =	shalt  }
0x52: {  	_ =	shalt  }
0x53: {  	_ =	shalt  }
0x54: {  	_ =	shalt  }
0x55: {  	_ =	shalt  }
0x56: {  	_ =	shalt  }
0x57: {  	_ =	shalt  }
0x58: {  	_ =	shalt  }
0x59: {  	_ =	shalt  }
0x5a: {  	_ =	shalt  }
0x5b: {  	_ =	shalt  }
0x5c: {  	_ =	shalt  }
0x5d: {  	_ =	shalt  }
0x5e: {  	_ =	shalt  }
0x5f: {  	_ =	shalt  }
0x60: {  	_ =	shalt  }
0x61: {  	_ =	shalt  }
0x62: {  	_ =	shalt  }
0x63: {  	_ =	shalt  }
0x64: {  	_ =	shalt  }
0x65: {  	_ =	shalt  }
0x66: {  	_ =	shalt  }
0x67: {  	_ =	shalt  }
0x68: {  	_ =	shalt  }
0x69: {  	_ =	shalt  }
0x6a: {  	_ =	shalt  }
0x6b: {  	_ =	shalt  }
0x6c: {  	_ =	shalt  }
0x6d: {  	_ =	shalt  }
0x6e: {  	_ =	shalt  }
0x6f: {  	_ =	shalt  }
0x70: {  	_ =	shalt  }
0x71: {  	_ =	shalt  }
0x72: {  	_ =	shalt  }
0x73: {  	_ =	shalt  }
0x74: {  	_ =	shalt  }
0x75: {  	_ =	shalt  }
0x76: {  	_ =	shalt  }
0x77: {  	_ =	shalt  }
0x78: {  	_ =	shalt  }
0x79: {  	_ =	shalt  }
0x7a: {  	_ =	shalt  }
0x7b: {  	_ =	shalt  }
0x7c: {  	_ =	shalt  }
0x7d: {  	_ =	shalt  }
0x7e: {  	_ =	shalt  }
0x7f: {  	_ =	shalt  }
0x80: {  	_ =	shalt  }
0x81: {  	_ =	shalt  }
0x82: {  	_ =	shalt  }
0x83: {  	_ =	shalt  }
0x84: {  	_ =	shalt  }
0x85: {  	_ =	shalt  }
0x86: {  	_ =	shalt  }
0x87: {  	_ =	shalt  }
.Lfunc_end0:
.L_simem_size_0:
called_computation_lowered:
.L_overlay_start_0:
0x88: {  	s0 =	sld [smem:$0x3FD9]  }
0x89: {  	s1 =	sld [smem:$0x3FFE];
	_ =	sdelay $0x3  }
0x8a: {  	s0 =	sadd.s32 s1, s0  }
0x8b: {  	[smem:$0x3F94] =	sst s0  }
0x8c: {  	_ = 	snop  }
0x8d: {  	(tm) =	ssettm $0x1  }
0x8e: {  	s15 =	sld [smem:$0x3FFB];
	_ =	sdelay $0x3  }
0x8f: {  	_ =	strace s15  }
0x90: {  	s0 =	sld [smem:$0x3FFC];
	_ =	sdelay $0x3  }
0x91: {  	_ =	strace s0  }
0x92: {  	s0 =	sld [smem:$0x3FFD];
	_ =	sdelay $0x3  }
0x93: {  	_ =	strace s0  }
0x94: {  	_ =	strace $0x8FFFFFFF  }
0x95: {  	s16 =	sld [smem:$0x3FDB];
	_ =	sdelay $0x1  }
0x96: {  	s17 =	simm.s32 $_scs_section_size  }
0x97: {  	s2 =	simm.s32 $_size__tile_overlayer_lowered;
	s3 =	simm.s32 $_tile_overlayer_lowered  }
0x98: {  	s20 =	simm.s32 $0x1BFF;
	s19 =	sshll.u32 s3, $0x1;
	s0 =	sadd.s32 s17, s16  }
0x99: {  	s4 =	simm.s32 $0x0;
	s18 =	sshll.u32 s2, $0x1;
	s2 =	sadd.s32 s19, s0  }
0x9a: {  	[timem:s4], [sflag:s20] =	dma.local [hbm:s2], s18  }
0x9b: {  	_ =	swait.ge [sflag:s20], s18  }
0x9c: {  	s1 =	ssub.s32 $0x0, s18;
	[sflag:s20] =	ssyncset.done $0x0  }
0x9d: {  	[sflag:s20] =	ssyncadd.s32 s1;
	_ =	sdelay $0x1  }
0x9e: {  	s21 =	simm.s32 $0x1B8B  }
0x9f: {  	_ =	swait.ge [sflag:s21], $0x1  }
0xa0: {  	[sflag:s21] =	ssyncset.done $0x0  }
0xa1: {  	s23 =	simm.s32 $0x1B8E;
	s22 =	sld [smem:$0x3FFE];
	[sflag:s21] =	ssyncadd.s32 $0xFFFFFFFF  }
0xa2: {  	s24 =	simm.s32 $execute0_lowered;
	[smem:$0x3FD2] =	sst s23  }
0xa3: {  	s2 =	sshll.u32 s24, $0x1;
	_ =	strace $0x80000046;
	[dreg:$0x1] =	wrdreg $0xFFFFFFFF  }
0xa4: {  	s25 =	simm.s32 $_size_execute0_lowered;
	s0 =	sadd.s32 s0, s2;
	[dreg:$0x0] =	wrdreg $0x0  }
0xa5: {  	s2 =	sshll.u32 s25, $0x1;
	[dreg:$0x2] =	wrdreg s0  }
0xa6: {  	[dreg:$0x3] =	wrdreg s2  }
0xa7: {  	[dreg:$0x4] =	wrdreg $0xC0  }
0xa8: {  	_ =	task [dreg:s4], $0x5FFFF  }
0xa9: {  	[dreg:$0x1] =	wrdreg $0xFFFFFFFF  }
0xaa: {  	[dreg:$0x0] =	wrdreg $0x60  }
0xab: {  	[dreg:$0x2] =	wrdreg s22  }
0xac: {  	[dreg:$0x3] =	wrdreg $0x9  }
0xad: {  	_ =	task.clear_ibuf [dreg:s4], $0x4FFFF;
	_ =	strace $0x90000046  }
0xae: {  	s26 =	simm.s32 $0x9;
	_ =	strace $0x80000048  }
0xaf: {  	_ =	swait.ge [sflag:s26], $0x1  }
0xb0: {  	[sflag:s26] =	ssyncadd.s32 $0xFFFFFFFF  }
0xb1: {  	_ =	strace $0x90000048  }
0xb2: {  	_ =	sfence  }
0xb3: {  	s28 =	sld [smem:$0x0];
	_ =	sdelay $0x1  }
0xb4: {  	s29 =	srdreg.scid  }
0xb5: {  	s30 =	sshll.u32 s29, $0xD;
	s31 =	sshrl.u32 s29, $0x2  }
0xb6: {  	s1 =	sand.u32 $0x1, s29;
	s2 =	sand.u32 $0x4000, s30;
	s0 =	sadd.s32 s31, s28  }
0xb7: {  	s1 =	sor.u32 s2, s1;
	s0 =	sshll.u32 s0, $0x11  }
0xb8: {  	s0 =	sor.u32 s0, s1  }
0xb9: {  	s0 =	sadd.s32 $0x8F2B, s0  }
0xba: {  	[sflag:s0] =	ssyncadd.remote.s32 $0x1  }
0xbb: {  	_ =	sfence.sel $0xFFFF  }
0xbc: {  	[dreg:$0x0] =	wrdreg $0xFFFFFFFF;
	(pc) =	sbr.abs _section_cstart, $3  }
0xbd: {  	[dreg:$0x1] =	wrdreg $0xFFFFFFFF  }
0xbe: {  	_ =	task.clear_ibuf [dreg:s4], $0x2FFFF;
	_ =	strace $0x9FFFFFFF  }
0xbf: {  	(tm) =	ssettm $0x7FFFFFFF  }
tec
execute0_lowered:
.L_overlay_start_1:
0x0: {  	(tag) =	ssettag $0x1  }
0x1: {  	s5 =	rddreg [dreg:$0x0]  }
0x2: {  	s0 =	rddreg [dreg:$0x1]  }
0x3: {  	_ =	strace $0x80000047;
	s1 =	stileid.u32;
	s6 =	simm.s32 $0x1  }
0x4: {  	s8 =	simm.s32 $0x2;
	s30 =	simm.s32 $0x3;
	s12 =	simm.s32 $0x0  }
0x5: {  	s9 =	simm.s32 $0x0;
	s10 =	simm.s32 $0x0;
	s4 =	sshll.u32 s1, $0x4  }
0x6: {  	s2 =	sadd.s32 $0x9400, s5;
	s3 =	sadd.s32 $0x9800, s5;
	s7 =	ssub.s32 $0x19C0, s4  }
0x7: {  	s5 =	sadd.s32 $0x3D800, s5;
	[sflag:s6] =	ssyncpa.u1 $0x0;
	s6 =	sshrl.u32 s7, $0x8  }
0x8: {  	[sflag:s8] =	ssyncpa.u1 $0x0;
	s11 =	smov.u32 s4;
	s31 =	sshll.u32 s6, $0x4  }
0x9: {  	[sflag:s30] =	ssyncpa.u1 $0x0;
	s7 =	sor.u32 $0x2, s6;
	s8 =	sadd.s32 $0x30, s31  }
.LBB2_1:
0xa: {  	p0 =	sgt.u32 s10, s6  }
0xb: {  	s13 =	sxor.u32 @!p0 $0xFFFFFFFF, s9;
	s14 =	sshrl.u32 @!p0 s11, $0x3  }
0xc: {  	s15 =	sand.u32 @!p0 $0x7, s11;
	s13 =	sand.u32 @!p0 $0x10, s13;
	s14 =	sadd.s32 @!p0 s3, s14  }
0xd: {  	[tilespmem:s13], [sflag:$0x2] =	stream.linear.gather @!p0 [hbm4b:s14+s15], $0x10, $0x38;
	[tilespmem:$0x40] =	vst v63  }
0xe: {  	p0 =	seq.s32 s9, $0x0  }
0xf: {  	p1 =	sge.u32 @!p0 s10, s7  }
0x10: {  	p0 =	por p1, p0  }
0x11: {  	s13 =	simm.s32 @!p0 $0x2  }
0x12: {  	_ =	swait.ge @!p0 [sflag:s13], $0x10  }
0x13: {  	[sflag:s13] =	ssyncset.done @!p0 $0x0  }
0x14: {  	[sflag:s13] =	ssyncadd.s32 @!p0 $0xFFFFFFF0;
	s13 =	sand.u32 @!p0 $0x10, s9  }
0x15: {  	(ifvalue) =	ssetifvalue @!p0 $0x7FFFFFFF;
	v0 =	vld.msk @!p0 [tilespmem:s13+$0x0 ss:$0x1], $0xffff;
	_ =	sdelay $0x4  }
0x16: {  	vm0 =	vgt.s32 @!p0 v0, $0x0  }
0x17: {  	v0 =	vnsel @!p0 vm0, $0x0, v0  }
0x18: {  	v0 =	vmin.u32 @!p0 v0, $0x19C7;
	_ =	sdelay $0x3  }
0x19: {  	s14 =	simm.s32 @!p0 $0x0;
	s13 =	sor.u32 @!p0 $0x20, s13;
	(ifvalue) =	ssetifvalue @!p0 $0x7FFFFFFF;
	vm0 =	vmmov @!p0 $0xffff  }
0x1a: {  	[tilespmem:s13], [sflag:$0x1] =	stream.indirect_vreg.gather @!p0 [hbm4b:s2+s14], $0x1, v0, vm0, $0x4038;
	[tilespmem:$0x40] =	vst v63  }
0x1b: {  	s14 =	simm.s32 @!p0 $0x1  }
0x1c: {  	_ =	swait.ge @!p0 [sflag:s14], $0x10  }
0x1d: {  	s15 =	sshrl.u32 @!p0 s12, $0x3;
	[sflag:s14] =	ssyncset.done @!p0 $0x0  }
0x1e: {  	s12 =	sand.u32 @!p0 $0x7, s12;
	[sflag:s14] =	ssyncadd.s32 @!p0 $0xFFFFFFF0;
	s14 =	sadd.s32 @!p0 s5, s15  }
0x1f: {  	[hbm4b:s14+s12] =	stream.linear.scatter @!p0 [tilespmem:s13], [sflag:$0x3], $0x10, $0x38;
	[tilespmem:$0x40] =	vst v63  }
0x20: {  	s14 =	sadd.s32 $0x100, s11  }
0x21: {  	s9 =	sadd.s32 $0x10, s9;
	p1 =	sgt.s32 s14, $0x19C7  }
0x22: {  	s14 =	smov.u32 @p1 s4;
	p1 =	sne.s32 s8, s9  }
.Ltmp0:
0x23: {  	p0 =	slt.u32 s10, $0x2;
	(pc) =	sbr.rel @p1 .LBB2_1-.Ltmp0, $4  }
0x24: {  	s13 =	simm.s32 @!p0 $0x3  }
0x25: {  	_ =	swait.ge @!p0 [sflag:s13], $0x10  }
0x26: {  	s12 =	smov.u32 s11;
	[sflag:s13] =	ssyncset.done @!p0 $0x0  }
0x27: {  	s10 =	sadd.s32 $0x1, s10;
	s11 =	smov.u32 s14;
	[sflag:s13] =	ssyncadd.s32 @!p0 $0xFFFFFFF0  }
0x28: {  	_ =	sfence.sel $0x180000  }
0x29: {  	s2 =	simm.s32 $0x2;
	[bflag:$0x0] =	sbarrier.arrive $0xFFFF  }
0x2a: {  	s30 =	simm.s32 $0x3;
	[sflag:s2] =	ssyncpa.u1 $0x1  }
0x2b: {  	s31 =	simm.s32 $0x1;
	[sflag:s30] =	ssyncpa.u1 $0x1  }
0x2c: {  	[sflag:s31] =	ssyncpa.u1 $0x1  }
0x2d: {  	p0 =	sne.s32 s1, $0x0;
	_ =	strace $0x90000047  }
0x2e: {  	s0 =	sadd.s32 @!p0 $0x100000, s0;
	[bflag:$0x2] =	sbarrier.arrive $0xFFFF  }
0x2f: {  	[sflag:s0] =	ssyncadd.tile.s32 @!p0 $0x1;
	_ =	shalt  }
.Lfunc_end2:
_tile_overlayer_lowered:
.L_overlay_start_2:
0x30: {  	(tag) =	ssettag $0x2  }
0x31: {  	s0 =	rddreg [dreg:$0x0];
	s2 =	stileid.u32  }
0x32: {  	s1 =	rddreg [dreg:$0x1];
	p0 =	sne.s32 s2, $0x0  }
0x33: {  	s3 =	rddreg [dreg:$0x2];
	[bflag:$0x3] =	sbarrier.arrive $0xFFFF;
	s2 =	simm.s32 @!p0 $0x1C01  }
0x34: {  	[timem:s3], [sflag:s2] =	dma.local @!p0 [hbm:s0], s1  }
0x35: {  	s0 =	simm.s32 @!p0 $0x1  }
0x36: {  	_ =	swait.ge @!p0 [sflag:s0], s1  }
0x37: {  	s1 =	ssub.s32 @!p0 $0x0, s1;
	[sflag:s0] =	ssyncset.done @!p0 $0x0  }
0x38: {  	[sflag:s0] =	ssyncadd.s32 @!p0 s1  }
0x39: {  	[bflag:$0x3] =	sbarrier.arrive $0xFFFF  }
0x3a: {  	_ =	shalt  }

// kernel: kernel.11.cloned.1.call-start
scs
__scs_entry_jumppad:
0x0: {  	(pc) =	sbr.rel $0x88, $3  }
0x1: {  	(tag) =	ssettag $0x0;
	lr =	simm.s32 $0x1  }
0x2: {  	[smem:$0x3F6D] =	sst lr;
	_ =	strace $0xD0000000  }
0x3: {  	_ = 	snop  }
0x4: {  	_ = 	snop  }
0x5: {  	_ = 	snop  }
0x6: {  	_ = 	snop  }
0x7: {  	_ = 	snop  }
__scs_overlays_trampoline_lowered:
0x8: {  	[smem:$0x3F7C] =	sst s0  }
0x9: {  	[smem:$0x3F7D] =	sst s1  }
0xa: {  	[smem:$0x3F7E] =	sst s2  }
0xb: {  	[smem:$0x3F7F] =	sst s3  }
0xc: {  	[smem:$0x3F80] =	sst s4  }
0xd: {  	[smem:$0x3F81] =	sst s5  }
0xe: {  	[smem:$0x3F82] =	sst s6  }
0xf: {  	[smem:$0x3F83] =	sst s7  }
0x10: {  	[smem:$0x3F84] =	sst s8  }
0x11: {  	[smem:$0x3F85] =	sst s9;
	s0 =	simm.s32 @!p0 $0x0  }
0x12: {  	s1 =	sld [smem:$0x3F6B];
	s0 =	simm.s32 @p0 $0x1  }
0x13: {  	[smem:$0x3F86] =	sst s0;
	s0 =	simm.s32 @!p1 $0x0  }
0x14: {  	s2 =	sld [smem:$0x3F6A];
	s0 =	simm.s32 @p1 $0x1  }
0x15: {  	[smem:$0x3F87] =	sst s0;
	s0 =	simm.s32 @!p2 $0x0  }
0x16: {  	s3 =	sld [smem:$0x3FDB];
	s0 =	simm.s32 @p2 $0x1  }
0x17: {  	s4 =	simm.s32 $0x1BF5;
	[smem:$0x3F89] =	sst s0  }
0x18: {  	s0 =	sld [smem:$0x3F6C];
	_ =	swait.ge [sflag:s4], $0x0  }
0x19: {  	s7 =	sld [smem:$0x3F6D]  }
0x1a: {  	s8 =	sadd.s32 $0xFFFFE003, lr  }
0x1b: {  	s9 =	sadd.s32 $0xFFFFFEF7, lr;
	s5 =	simm.s32 $0xFFFFFFFF;
	p2 =	slt.u32 s8, $0xFFFFF086  }
0x1c: {  	p1 =	slt.u32 s9, $0xF7A;
	s5 =	simm.s32 @!p2 $0x0  }
0x1d: {  	s5 =	simm.s32 @p1 $0x1;
	p0 =	seq.s32 s7, s2  }
0x1e: {  	s7 =	smul.u32 @!p0 $0xF7A, s2;
	p2 =	seq.s32 @!p0 s5, $0x0  }
0x1f: {  	s9 =	smul.u32 $0xF7A, s1;
	s8 =	simm.s32 @!p0 $0x1BF5;
	p2 =	por !p2, p0  }
0x20: {  	[sflag:s8] =	ssyncset.s32 @!p0 $0xFFFFF086;
	s6 =	sadd.s32 @!p0 s3, s7;
	s7 =	simm.s32 @!p0 $0x108  }
0x21: {  	s3 =	sadd.s32 s3, s9;
	s6 =	sadd.s32 @!p0 $0x88, s6;
	s7 =	simm.s32 @p2 $0x1082  }
0x22: {  	[simem:s7], [sflag:s8] =	dma.local @!p0 [hbm:s6], $0xF7A  }
0x23: {  	s9 =	sor.u32 $0xD0000000, s2;
	s6 =	simm.s32 $0x108;
	_ =	swait.ge @!p0 [sflag:s8], $0x0  }
0x24: {  	s3 =	sadd.s32 $0x88, s3;
	s6 =	simm.s32 @!p1 $0x1082;
	[sflag:s4] =	ssyncset.s32 $0xFFFFF086  }
0x25: {  	[simem:s6], [sflag:s4] =	dma.local [hbm:s3], $0xF7A  }
0x26: {  	[smem:$0x3F6D] =	sst s1;
	(tag) =	ssettag s2;
	_ =	strace s9  }
0x27: {  	s1 =	sld [smem:$0x3F7D]  }
0x28: {  	s2 =	sld [smem:$0x3F7E]  }
0x29: {  	s4 =	sld [smem:$0x3F80]  }
0x2a: {  	p0 =	seq.s32 s5, $0x0;
	s5 =	sld [smem:$0x3F81]  }
0x2b: {  	s6 =	sld [smem:$0x3F82]  }
0x2c: {  	s7 =	sld [smem:$0x3F83]  }
0x2d: {  	s3 =	simm.s32 $0x108;
	s8 =	sld [smem:$0x3F84]  }
0x2e: {  	s3 =	simm.s32 @!p0 $0x1082;
	s9 =	sld [smem:$0x3F85]  }
0x2f: {  	lr =	sadd.s32 s0, s3;
	s0 =	sld [smem:$0x3F7C]  }
0x30: {  	s3 =	sld [smem:$0x3F7F]  }
0x31: {  	[smem:$0x3F88] =	sst s10  }
0x32: {  	s10 =	sld [smem:$0x3F86];
	_ =	sdelay $0x3  }
0x33: {  	p0 =	seq.s32 s10, $0x1;
	s10 =	sld [smem:$0x3F88];
	_ =	sdelay $0x3  }
0x34: {  	[smem:$0x3F88] =	sst s10  }
0x35: {  	s10 =	sld [smem:$0x3F87];
	_ =	sdelay $0x3  }
0x36: {  	p1 =	seq.s32 s10, $0x1;
	s10 =	sld [smem:$0x3F88];
	_ =	sdelay $0x3  }
0x37: {  	[smem:$0x3F88] =	sst s10  }
0x38: {  	s10 =	sld [smem:$0x3F89]  }
0x39: {  	_ = 	snop;
	(pc) =	sbr.ind lr, $3  }
0x3a: {  	_ = 	snop  }
0x3b: {  	_ = 	snop  }
0x3c: {  	p2 =	seq.s32 s10, $0x1;
	s10 =	sld [smem:$0x3F88]  }
0x3d: {  	_ =	shalt  }
0x3e: {  	_ =	shalt  }
0x3f: {  	_ =	shalt  }
0x40: {  	_ =	shalt  }
0x41: {  	_ =	shalt  }
0x42: {  	_ =	shalt  }
0x43: {  	_ =	shalt  }
0x44: {  	_ =	shalt  }
0x45: {  	_ =	shalt  }
0x46: {  	_ =	shalt  }
0x47: {  	_ =	shalt  }
0x48: {  	_ =	shalt  }
0x49: {  	_ =	shalt  }
0x4a: {  	_ =	shalt  }
0x4b: {  	_ =	shalt  }
0x4c: {  	_ =	shalt  }
0x4d: {  	_ =	shalt  }
0x4e: {  	_ =	shalt  }
0x4f: {  	_ =	shalt  }
0x50: {  	_ =	shalt  }
0x51: {  	_ =	shalt  }
0x52: {  	_ =	shalt  }
0x53: {  	_ =	shalt  }
0x54: {  	_ =	shalt  }
0x55: {  	_ =	shalt  }
0x56: {  	_ =	shalt  }
0x57: {  	_ =	shalt  }
0x58: {  	_ =	shalt  }
0x59: {  	_ =	shalt  }
0x5a: {  	_ =	shalt  }
0x5b: {  	_ =	shalt  }
0x5c: {  	_ =	shalt  }
0x5d: {  	_ =	shalt  }
0x5e: {  	_ =	shalt  }
0x5f: {  	_ =	shalt  }
0x60: {  	_ =	shalt  }
0x61: {  	_ =	shalt  }
0x62: {  	_ =	shalt  }
0x63: {  	_ =	shalt  }
0x64: {  	_ =	shalt  }
0x65: {  	_ =	shalt  }
0x66: {  	_ =	shalt  }
0x67: {  	_ =	shalt  }
0x68: {  	_ =	shalt  }
0x69: {  	_ =	shalt  }
0x6a: {  	_ =	shalt  }
0x6b: {  	_ =	shalt  }
0x6c: {  	_ =	shalt  }
0x6d: {  	_ =	shalt  }
0x6e: {  	_ =	shalt  }
0x6f: {  	_ =	shalt  }
0x70: {  	_ =	shalt  }
0x71: {  	_ =	shalt  }
0x72: {  	_ =	shalt  }
0x73: {  	_ =	shalt  }
0x74: {  	_ =	shalt  }
0x75: {  	_ =	shalt  }
0x76: {  	_ =	shalt  }
0x77: {  	_ =	shalt  }
0x78: {  	_ =	shalt  }
0x79: {  	_ =	shalt  }
0x7a: {  	_ =	shalt  }
0x7b: {  	_ =	shalt  }
0x7c: {  	_ =	shalt  }
0x7d: {  	_ =	shalt  }
0x7e: {  	_ =	shalt  }
0x7f: {  	_ =	shalt  }
0x80: {  	_ =	shalt  }
0x81: {  	_ =	shalt  }
0x82: {  	_ =	shalt  }
0x83: {  	_ =	shalt  }
0x84: {  	_ =	shalt  }
0x85: {  	_ =	shalt  }
0x86: {  	_ =	shalt  }
0x87: {  	_ =	shalt  }
.Lfunc_end0:
.L_simem_size_0:
called_computation.3_lowered:
.L_overlay_start_0:
0x88: {  	s2 =	sld [smem:$0x3FD9]  }
0x89: {  	s3 =	sld [smem:$0x3FFE];
	_ =	sdelay $0x1  }
0x8a: {  	s1 =	srdreg.scid  }
0x8b: {  	s0 =	sand.u32 $0x1, s1  }
0x8c: {  	s16 =	sshll.u32 s0, $0xA;
	s2 =	sadd.s32 s3, s2  }
0x8d: {  	s2 =	sadd.s32 s2, s16  }
0x8e: {  	[smem:$0x3F94] =	sst s2  }
0x8f: {  	_ = 	snop  }
0x90: {  	(tm) =	ssettm $0x1  }
0x91: {  	s17 =	sld [smem:$0x3FFB];
	_ =	sdelay $0x3  }
0x92: {  	_ =	strace s17  }
0x93: {  	s2 =	sld [smem:$0x3FFC];
	_ =	sdelay $0x3  }
0x94: {  	_ =	strace s2  }
0x95: {  	s2 =	sld [smem:$0x3FFD];
	_ =	sdelay $0x3  }
0x96: {  	_ =	strace s2  }
0x97: {  	_ =	strace $0x8FFFFFFF  }
0x98: {  	s18 =	sld [smem:$0x3FDB];
	_ =	sdelay $0x1  }
0x99: {  	s19 =	simm.s32 $_scs_section_size  }
0x9a: {  	s4 =	simm.s32 $_size__tile_overlayer_lowered;
	s5 =	simm.s32 $_tile_overlayer_lowered  }
0x9b: {  	s22 =	simm.s32 $0x1BFF;
	s21 =	sshll.u32 s5, $0x1;
	s2 =	sadd.s32 s19, s18  }
0x9c: {  	s6 =	simm.s32 $0x0;
	s20 =	sshll.u32 s4, $0x1;
	s4 =	sadd.s32 s21, s2  }
0x9d: {  	[timem:s6], [sflag:s22] =	dma.local [hbm:s4], s20  }
0x9e: {  	_ =	swait.ge [sflag:s22], s20  }
0x9f: {  	s3 =	ssub.s32 $0x0, s20;
	[sflag:s22] =	ssyncset.done $0x0  }
0xa0: {  	[sflag:s22] =	ssyncadd.s32 s3;
	_ =	sdelay $0x1  }
0xa1: {  	s23 =	simm.s32 $0x1B8B  }
0xa2: {  	_ =	swait.ge [sflag:s23], $0x1  }
0xa3: {  	[sflag:s23] =	ssyncset.done $0x0  }
0xa4: {  	s25 =	simm.s32 $0x1B8E;
	s24 =	sld [smem:$0x3FFE];
	[sflag:s23] =	ssyncadd.s32 $0xFFFFFFFF  }
0xa5: {  	s26 =	simm.s32 $execute0_lowered;
	[smem:$0x3FD2] =	sst s25  }
0xa6: {  	s4 =	sshll.u32 s26, $0x1;
	_ =	strace $0x8000004F;
	[dreg:$0x1] =	wrdreg $0xFFFFFFFF  }
0xa7: {  	s28 =	simm.s32 $_size_execute0_lowered;
	s2 =	sadd.s32 s2, s4;
	[dreg:$0x0] =	wrdreg $0x0  }
0xa8: {  	s4 =	sshll.u32 s28, $0x1;
	[dreg:$0x2] =	wrdreg s2  }
0xa9: {  	[dreg:$0x3] =	wrdreg s4  }
0xaa: {  	[dreg:$0x4] =	wrdreg $0xC0  }
0xab: {  	_ =	task [dreg:s6], $0x5FFFF  }
0xac: {  	[dreg:$0x1] =	wrdreg $0xFFFFFFFF  }
0xad: {  	[dreg:$0x0] =	wrdreg $0x60  }
0xae: {  	[dreg:$0x2] =	wrdreg s24  }
0xaf: {  	[dreg:$0x3] =	wrdreg $0x9  }
0xb0: {  	_ =	task.clear_ibuf [dreg:s6], $0x4FFFF;
	_ =	strace $0x9000004F  }
0xb1: {  	s29 =	simm.s32 $0x9;
	_ =	strace $0x80000051  }
0xb2: {  	_ =	swait.ge [sflag:s29], $0x1  }
0xb3: {  	[sflag:s29] =	ssyncadd.s32 $0xFFFFFFFF  }
0xb4: {  	_ =	strace $0x90000051  }
0xb5: {  	_ =	sfence  }
0xb6: {  	s30 =	sld [smem:$0x0];
	_ =	sdelay $0x2  }
0xb7: {  	s31 =	sshll.u32 s1, $0xD;
	s1 =	sshrl.u32 s1, $0x2  }
0xb8: {  	s3 =	sand.u32 $0x4000, s31;
	s1 =	sadd.s32 s1, s30  }
0xb9: {  	s0 =	sor.u32 s3, s0;
	s1 =	sshll.u32 s1, $0x11  }
0xba: {  	s0 =	sor.u32 s1, s0  }
0xbb: {  	s0 =	sadd.s32 $0x8F2B, s0  }
0xbc: {  	[sflag:s0] =	ssyncadd.remote.s32 $0x1  }
0xbd: {  	_ =	sfence.sel $0xFFFF  }
0xbe: {  	[dreg:$0x0] =	wrdreg $0xFFFFFFFF;
	(pc) =	sbr.abs _section_cstart, $3  }
0xbf: {  	[dreg:$0x1] =	wrdreg $0xFFFFFFFF  }
0xc0: {  	_ =	task.clear_ibuf [dreg:s6], $0x2FFFF;
	_ =	strace $0x9FFFFFFF  }
0xc1: {  	(tm) =	ssettm $0x7FFFFFFF  }
tec
execute0_lowered:
.L_overlay_start_1:
0x0: {  	(tag) =	ssettag $0x1  }
0x1: {  	s4 =	rddreg [dreg:$0x0]  }
0x2: {  	s0 =	rddreg [dreg:$0x1]  }
0x3: {  	s3 =	srdreg.scid;
	s1 =	stileid.u32;
	s2 =	simm.s32 $0x0  }
0x4: {  	s10 =	simm.s32 $0x1;
	s11 =	simm.s32 $0x0;
	s6 =	smul.u32 $0x1A00, s1  }
0x5: {  	s5 =	sand.u32 $0x1, s3;
	[smem:$0x7FF] =	sst s2;
	s8 =	smul.u32 $0x1A000, s1  }
0x6: {  	s3 =	sadd.s32 $0xD000, s4;
	s7 =	smul.u32 $0xD00, s5;
	s9 =	ssub.s32 $0x2, s5  }
0x7: {  	_ =	strace $0x80000050;
	s5 =	smul.u32 $0xD000, s5;
	s31 =	sshrl.u32 s9, $0x1  }
0x8: {  	s30 =	sadd.s32 s8, s4;
	s6 =	sadd.s32 s7, s6;
	s8 =	ssub.s32 s9, s31  }
0x9: {  	s5 =	sadd.s32 s5, s30;
	s7 =	simm.s32 $0x2;
	s6 =	sshrl.u32 s6, $0x3  }
0xa: {  	s9 =	simm.s32 $0x200;
	s5 =	sadd.s32 $0x8B400, s5;
	s6 =	sadd.s32 s6, s4  }
0xb: {  	s4 =	smax.u32 s8, $0x1;
	s8 =	simm.s32 $0x1A0;
	s6 =	sadd.s32 $0x9C00, s6  }
.LBB2_1:
0xc: {  	s12 =	sadd.s32 $0x0, s6  }
0xd: {  	[tilespmem:s2], [sflag:$0x2] =	stream.linear.gather [hbm4b:s12+s2], $0x1A0, $0x38;
	[tilespmem:$0xD200] =	vst v63  }
0xe: {  	_ =	swait.ge [sflag:s7], $0x1A0  }
0xf: {  	[sflag:s7] =	ssyncset.done $0x0  }
0x10: {  	[sflag:s7] =	ssyncadd.s32 $0xFFFFFE60  }
0x11: {  	[tilespmem:s9], [sflag:$0x1] =	stream.indirect.gather [hbm4b:s3+s8], $0x80, s2, s8, $0xb8;
	[tilespmem:$0xD200] =	vst v63  }
0x12: {  	_ =	swait.ge [sflag:s10], $0xD000  }
0x13: {  	[sflag:s10] =	ssyncset.done $0x0  }
0x14: {  	[sflag:s10] =	ssyncadd.s32 $0xFFFF3000  }
0x15: {  	[hbm4b:s5+s2] =	stream.linear.scatter [tilespmem:s9], [sflag:$0x2], $0xD000, $0x38;
	[tilespmem:$0xD200] =	vst v63  }
0x16: {  	s13 =	simm.s32 $0x34;
	_ =	swait.ge [sflag:s7], $0xD000  }
0x17: {  	s14 =	simm.s32 $0x68;
	s12 =	sadd.s32 $0x1A00, s5;
	[sflag:s7] =	ssyncset.done $0x0  }
.LBB2_2:
0x18: {  	s15 =	sadd.s32 s13, s6  }
0x19: {  	[sflag:s7] =	ssyncadd.s32 $0xFFFF3000;
	s13 =	smov.u32 s14;
	s16 =	sadd.s32 $0x34, s14  }
0x1a: {  	[tilespmem:s2], [sflag:$0x2] =	stream.linear.gather [hbm4b:s15+s2], $0x1A0, $0x38;
	[tilespmem:$0xD200] =	vst v63  }
0x1b: {  	p0 =	sne.s32 s14, $0x16C;
	_ =	swait.ge [sflag:s7], $0x1A0  }
0x1c: {  	[sflag:s7] =	ssyncset.done $0x0  }
0x1d: {  	[sflag:s7] =	ssyncadd.s32 $0xFFFFFE60  }
0x1e: {  	[tilespmem:s9], [sflag:$0x1] =	stream.indirect.gather [hbm4b:s3+s8], $0x80, s2, s8, $0xb8;
	[tilespmem:$0xD200] =	vst v63  }
0x1f: {  	_ =	swait.ge [sflag:s10], $0xD000  }
.Ltmp0:
0x20: {  	[sflag:s10] =	ssyncset.done $0x0;
	(pc) =	sbr.rel @p0 .LBB2_2-.Ltmp0, $4  }
0x21: {  	[sflag:s10] =	ssyncadd.s32 $0xFFFF3000  }
0x22: {  	[hbm4b:s12+s2] =	stream.linear.scatter [tilespmem:s9], [sflag:$0x2], $0xD000, $0x38;
	[tilespmem:$0xD200] =	vst v63  }
0x23: {  	_ =	swait.ge [sflag:s7], $0xD000  }
0x24: {  	s14 =	smov.u32 s16;
	s12 =	sadd.s32 $0x1A00, s12;
	[sflag:s7] =	ssyncset.done $0x0  }
0x25: {  	s13 =	sadd.s32 s13, s6;
	[sflag:s7] =	ssyncadd.s32 $0xFFFF3000  }
0x26: {  	[tilespmem:s2], [sflag:$0x2] =	stream.linear.gather [hbm4b:s13+s2], $0x1A0, $0x38;
	[tilespmem:$0xD200] =	vst v63  }
0x27: {  	_ =	swait.ge [sflag:s7], $0x1A0  }
0x28: {  	[sflag:s7] =	ssyncset.done $0x0  }
0x29: {  	[sflag:s7] =	ssyncadd.s32 $0xFFFFFE60  }
0x2a: {  	[tilespmem:s9], [sflag:$0x1] =	stream.indirect.gather [hbm4b:s3+s8], $0x80, s2, s8, $0xb8;
	[tilespmem:$0xD200] =	vst v63  }
0x2b: {  	s11 =	sadd.s32 $0x1, s11;
	_ =	swait.ge [sflag:s10], $0xD000  }
0x2c: {  	p0 =	sne.s32 s11, s4;
	[sflag:s10] =	ssyncset.done $0x0  }
.Ltmp1:
0x2d: {  	[sflag:s10] =	ssyncadd.s32 $0xFFFF3000;
	(pc) =	sbr.rel @p0 .LBB2_1-.Ltmp1, $4  }
0x2e: {  	[hbm4b:s12+s2] =	stream.linear.scatter [tilespmem:s9], [sflag:$0x2], $0xD000, $0x38;
	[tilespmem:$0xD200] =	vst v63  }
0x2f: {  	_ =	swait.ge [sflag:s7], $0xD000  }
0x30: {  	[sflag:s7] =	ssyncset.done $0x0  }
0x31: {  	[sflag:s7] =	ssyncadd.s32 $0xFFFF3000  }
0x32: {  	_ =	sfence.sel $0x180000  }
0x33: {  	[bflag:$0x0] =	sbarrier.arrive $0xFFFF  }
0x34: {  	p0 =	sne.s32 s1, $0x0;
	_ =	strace $0x90000050  }
0x35: {  	s0 =	sadd.s32 @!p0 $0x100000, s0;
	[bflag:$0x2] =	sbarrier.arrive $0xFFFF  }
0x36: {  	[sflag:s0] =	ssyncadd.tile.s32 @!p0 $0x1;
	_ =	shalt  }
.Lfunc_end2:
_tile_overlayer_lowered:
.L_overlay_start_2:
0x37: {  	(tag) =	ssettag $0x2  }
0x38: {  	s0 =	rddreg [dreg:$0x0];
	s2 =	stileid.u32  }
0x39: {  	s1 =	rddreg [dreg:$0x1];
	p0 =	sne.s32 s2, $0x0  }
0x3a: {  	s3 =	rddreg [dreg:$0x2];
	[bflag:$0x3] =	sbarrier.arrive $0xFFFF;
	s2 =	simm.s32 @!p0 $0x1C02  }
0x3b: {  	[timem:s3], [sflag:s2] =	dma.local @!p0 [hbm:s0], s1  }
0x3c: {  	s0 =	simm.s32 @!p0 $0x2  }
0x3d: {  	_ =	swait.ge @!p0 [sflag:s0], s1  }
0x3e: {  	s1 =	ssub.s32 @!p0 $0x0, s1;
	[sflag:s0] =	ssyncset.done @!p0 $0x0  }
0x3f: {  	[sflag:s0] =	ssyncadd.s32 @!p0 s1  }
0x40: {  	[bflag:$0x3] =	sbarrier.arrive $0xFFFF  }
0x41: {  	_ =	shalt  }

// kernel: kernel.14.cloned.1.call-start
scs
__scs_entry_jumppad:
0x0: {  	(pc) =	sbr.rel $0x88, $3  }
0x1: {  	(tag) =	ssettag $0x0;
	lr =	simm.s32 $0x1  }
0x2: {  	[smem:$0x3F6D] =	sst lr;
	_ =	strace $0xD0000000  }
0x3: {  	_ = 	snop  }
0x4: {  	_ = 	snop  }
0x5: {  	_ = 	snop  }
0x6: {  	_ = 	snop  }
0x7: {  	_ = 	snop  }
__scs_overlays_trampoline_lowered:
0x8: {  	[smem:$0x3F7C] =	sst s0  }
0x9: {  	[smem:$0x3F7D] =	sst s1  }
0xa: {  	[smem:$0x3F7E] =	sst s2  }
0xb: {  	[smem:$0x3F7F] =	sst s3  }
0xc: {  	[smem:$0x3F80] =	sst s4  }
0xd: {  	[smem:$0x3F81] =	sst s5  }
0xe: {  	[smem:$0x3F82] =	sst s6  }
0xf: {  	[smem:$0x3F83] =	sst s7  }
0x10: {  	[smem:$0x3F84] =	sst s8  }
0x11: {  	[smem:$0x3F85] =	sst s9;
	s0 =	simm.s32 @!p0 $0x0  }
0x12: {  	s1 =	sld [smem:$0x3F6B];
	s0 =	simm.s32 @p0 $0x1  }
0x13: {  	[smem:$0x3F86] =	sst s0;
	s0 =	simm.s32 @!p1 $0x0  }
0x14: {  	s2 =	sld [smem:$0x3F6A];
	s0 =	simm.s32 @p1 $0x1  }
0x15: {  	[smem:$0x3F87] =	sst s0;
	s0 =	simm.s32 @!p2 $0x0  }
0x16: {  	s3 =	sld [smem:$0x3FDB];
	s0 =	simm.s32 @p2 $0x1  }
0x17: {  	s4 =	simm.s32 $0x1BF5;
	[smem:$0x3F89] =	sst s0  }
0x18: {  	s0 =	sld [smem:$0x3F6C];
	_ =	swait.ge [sflag:s4], $0x0  }
0x19: {  	s7 =	sld [smem:$0x3F6D]  }
0x1a: {  	s8 =	sadd.s32 $0xFFFFE003, lr  }
0x1b: {  	s9 =	sadd.s32 $0xFFFFFEF7, lr;
	s5 =	simm.s32 $0xFFFFFFFF;
	p2 =	slt.u32 s8, $0xFFFFF086  }
0x1c: {  	p1 =	slt.u32 s9, $0xF7A;
	s5 =	simm.s32 @!p2 $0x0  }
0x1d: {  	s5 =	simm.s32 @p1 $0x1;
	p0 =	seq.s32 s7, s2  }
0x1e: {  	s7 =	smul.u32 @!p0 $0xF7A, s2;
	p2 =	seq.s32 @!p0 s5, $0x0  }
0x1f: {  	s9 =	smul.u32 $0xF7A, s1;
	s8 =	simm.s32 @!p0 $0x1BF5;
	p2 =	por !p2, p0  }
0x20: {  	[sflag:s8] =	ssyncset.s32 @!p0 $0xFFFFF086;
	s6 =	sadd.s32 @!p0 s3, s7;
	s7 =	simm.s32 @!p0 $0x108  }
0x21: {  	s3 =	sadd.s32 s3, s9;
	s6 =	sadd.s32 @!p0 $0x88, s6;
	s7 =	simm.s32 @p2 $0x1082  }
0x22: {  	[simem:s7], [sflag:s8] =	dma.local @!p0 [hbm:s6], $0xF7A  }
0x23: {  	s9 =	sor.u32 $0xD0000000, s2;
	s6 =	simm.s32 $0x108;
	_ =	swait.ge @!p0 [sflag:s8], $0x0  }
0x24: {  	s3 =	sadd.s32 $0x88, s3;
	s6 =	simm.s32 @!p1 $0x1082;
	[sflag:s4] =	ssyncset.s32 $0xFFFFF086  }
0x25: {  	[simem:s6], [sflag:s4] =	dma.local [hbm:s3], $0xF7A  }
0x26: {  	[smem:$0x3F6D] =	sst s1;
	(tag) =	ssettag s2;
	_ =	strace s9  }
0x27: {  	s1 =	sld [smem:$0x3F7D]  }
0x28: {  	s2 =	sld [smem:$0x3F7E]  }
0x29: {  	s4 =	sld [smem:$0x3F80]  }
0x2a: {  	p0 =	seq.s32 s5, $0x0;
	s5 =	sld [smem:$0x3F81]  }
0x2b: {  	s6 =	sld [smem:$0x3F82]  }
0x2c: {  	s7 =	sld [smem:$0x3F83]  }
0x2d: {  	s3 =	simm.s32 $0x108;
	s8 =	sld [smem:$0x3F84]  }
0x2e: {  	s3 =	simm.s32 @!p0 $0x1082;
	s9 =	sld [smem:$0x3F85]  }
0x2f: {  	lr =	sadd.s32 s0, s3;
	s0 =	sld [smem:$0x3F7C]  }
0x30: {  	s3 =	sld [smem:$0x3F7F]  }
0x31: {  	[smem:$0x3F88] =	sst s10  }
0x32: {  	s10 =	sld [smem:$0x3F86];
	_ =	sdelay $0x3  }
0x33: {  	p0 =	seq.s32 s10, $0x1;
	s10 =	sld [smem:$0x3F88];
	_ =	sdelay $0x3  }
0x34: {  	[smem:$0x3F88] =	sst s10  }
0x35: {  	s10 =	sld [smem:$0x3F87];
	_ =	sdelay $0x3  }
0x36: {  	p1 =	seq.s32 s10, $0x1;
	s10 =	sld [smem:$0x3F88];
	_ =	sdelay $0x3  }
0x37: {  	[smem:$0x3F88] =	sst s10  }
0x38: {  	s10 =	sld [smem:$0x3F89]  }
0x39: {  	_ = 	snop;
	(pc) =	sbr.ind lr, $3  }
0x3a: {  	_ = 	snop  }
0x3b: {  	_ = 	snop  }
0x3c: {  	p2 =	seq.s32 s10, $0x1;
	s10 =	sld [smem:$0x3F88]  }
0x3d: {  	_ =	shalt  }
0x3e: {  	_ =	shalt  }
0x3f: {  	_ =	shalt  }
0x40: {  	_ =	shalt  }
0x41: {  	_ =	shalt  }
0x42: {  	_ =	shalt  }
0x43: {  	_ =	shalt  }
0x44: {  	_ =	shalt  }
0x45: {  	_ =	shalt  }
0x46: {  	_ =	shalt  }
0x47: {  	_ =	shalt  }
0x48: {  	_ =	shalt  }
0x49: {  	_ =	shalt  }
0x4a: {  	_ =	shalt  }
0x4b: {  	_ =	shalt  }
0x4c: {  	_ =	shalt  }
0x4d: {  	_ =	shalt  }
0x4e: {  	_ =	shalt  }
0x4f: {  	_ =	shalt  }
0x50: {  	_ =	shalt  }
0x51: {  	_ =	shalt  }
0x52: {  	_ =	shalt  }
0x53: {  	_ =	shalt  }
0x54: {  	_ =	shalt  }
0x55: {  	_ =	shalt  }
0x56: {  	_ =	shalt  }
0x57: {  	_ =	shalt  }
0x58: {  	_ =	shalt  }
0x59: {  	_ =	shalt  }
0x5a: {  	_ =	shalt  }
0x5b: {  	_ =	shalt  }
0x5c: {  	_ =	shalt  }
0x5d: {  	_ =	shalt  }
0x5e: {  	_ =	shalt  }
0x5f: {  	_ =	shalt  }
0x60: {  	_ =	shalt  }
0x61: {  	_ =	shalt  }
0x62: {  	_ =	shalt  }
0x63: {  	_ =	shalt  }
0x64: {  	_ =	shalt  }
0x65: {  	_ =	shalt  }
0x66: {  	_ =	shalt  }
0x67: {  	_ =	shalt  }
0x68: {  	_ =	shalt  }
0x69: {  	_ =	shalt  }
0x6a: {  	_ =	shalt  }
0x6b: {  	_ =	shalt  }
0x6c: {  	_ =	shalt  }
0x6d: {  	_ =	shalt  }
0x6e: {  	_ =	shalt  }
0x6f: {  	_ =	shalt  }
0x70: {  	_ =	shalt  }
0x71: {  	_ =	shalt  }
0x72: {  	_ =	shalt  }
0x73: {  	_ =	shalt  }
0x74: {  	_ =	shalt  }
0x75: {  	_ =	shalt  }
0x76: {  	_ =	shalt  }
0x77: {  	_ =	shalt  }
0x78: {  	_ =	shalt  }
0x79: {  	_ =	shalt  }
0x7a: {  	_ =	shalt  }
0x7b: {  	_ =	shalt  }
0x7c: {  	_ =	shalt  }
0x7d: {  	_ =	shalt  }
0x7e: {  	_ =	shalt  }
0x7f: {  	_ =	shalt  }
0x80: {  	_ =	shalt  }
0x81: {  	_ =	shalt  }
0x82: {  	_ =	shalt  }
0x83: {  	_ =	shalt  }
0x84: {  	_ =	shalt  }
0x85: {  	_ =	shalt  }
0x86: {  	_ =	shalt  }
0x87: {  	_ =	shalt  }
.Lfunc_end0:
.L_simem_size_0:
called_computation.4_lowered:
.L_overlay_start_0:
0x88: {  	s2 =	sld [smem:$0x3FD9]  }
0x89: {  	s3 =	sld [smem:$0x3FFE];
	_ =	sdelay $0x1  }
0x8a: {  	s1 =	srdreg.scid  }
0x8b: {  	s0 =	sand.u32 $0x1, s1  }
0x8c: {  	s16 =	sshll.u32 s0, $0xA;
	s2 =	sadd.s32 s3, s2  }
0x8d: {  	s2 =	sadd.s32 s2, s16  }
0x8e: {  	[smem:$0x3F94] =	sst s2  }
0x8f: {  	_ = 	snop  }
0x90: {  	(tm) =	ssettm $0x1  }
0x91: {  	s17 =	sld [smem:$0x3FFB];
	_ =	sdelay $0x3  }
0x92: {  	_ =	strace s17  }
0x93: {  	s2 =	sld [smem:$0x3FFC];
	_ =	sdelay $0x3  }
0x94: {  	_ =	strace s2  }
0x95: {  	s2 =	sld [smem:$0x3FFD];
	_ =	sdelay $0x3  }
0x96: {  	_ =	strace s2  }
0x97: {  	_ =	strace $0x8FFFFFFF  }
0x98: {  	s18 =	sld [smem:$0x3FDB];
	_ =	sdelay $0x1  }
0x99: {  	s19 =	simm.s32 $_scs_section_size  }
0x9a: {  	s4 =	simm.s32 $_size__tile_overlayer_lowered;
	s5 =	simm.s32 $_tile_overlayer_lowered  }
0x9b: {  	s22 =	simm.s32 $0x1BFF;
	s21 =	sshll.u32 s5, $0x1;
	s2 =	sadd.s32 s19, s18  }
0x9c: {  	s6 =	simm.s32 $0x0;
	s20 =	sshll.u32 s4, $0x1;
	s4 =	sadd.s32 s21, s2  }
0x9d: {  	[timem:s6], [sflag:s22] =	dma.local [hbm:s4], s20  }
0x9e: {  	_ =	swait.ge [sflag:s22], s20  }
0x9f: {  	s3 =	ssub.s32 $0x0, s20;
	[sflag:s22] =	ssyncset.done $0x0  }
0xa0: {  	[sflag:s22] =	ssyncadd.s32 s3;
	_ =	sdelay $0x1  }
0xa1: {  	s23 =	simm.s32 $0x1B8B  }
0xa2: {  	_ =	swait.ge [sflag:s23], $0x1  }
0xa3: {  	[sflag:s23] =	ssyncset.done $0x0  }
0xa4: {  	s25 =	simm.s32 $0x1B8E;
	s24 =	sld [smem:$0x3FFE];
	[sflag:s23] =	ssyncadd.s32 $0xFFFFFFFF  }
0xa5: {  	s26 =	simm.s32 $execute0_lowered;
	[smem:$0x3FD2] =	sst s25  }
0xa6: {  	s4 =	sshll.u32 s26, $0x1;
	_ =	strace $0x80000052;
	[dreg:$0x1] =	wrdreg $0xFFFFFFFF  }
0xa7: {  	s28 =	simm.s32 $_size_execute0_lowered;
	s2 =	sadd.s32 s2, s4;
	[dreg:$0x0] =	wrdreg $0x0  }
0xa8: {  	s4 =	sshll.u32 s28, $0x1;
	[dreg:$0x2] =	wrdreg s2  }
0xa9: {  	[dreg:$0x3] =	wrdreg s4  }
0xaa: {  	[dreg:$0x4] =	wrdreg $0xC0  }
0xab: {  	_ =	task [dreg:s6], $0x5FFFF  }
0xac: {  	[dreg:$0x1] =	wrdreg $0xFFFFFFFF  }
0xad: {  	[dreg:$0x0] =	wrdreg $0x60  }
0xae: {  	[dreg:$0x2] =	wrdreg s24  }
0xaf: {  	[dreg:$0x3] =	wrdreg $0x9  }
0xb0: {  	_ =	task.clear_ibuf [dreg:s6], $0x4FFFF;
	_ =	strace $0x90000052  }
0xb1: {  	s29 =	simm.s32 $0x9;
	_ =	strace $0x80000054  }
0xb2: {  	_ =	swait.ge [sflag:s29], $0x1  }
0xb3: {  	[sflag:s29] =	ssyncadd.s32 $0xFFFFFFFF  }
0xb4: {  	_ =	strace $0x90000054  }
0xb5: {  	_ =	sfence  }
0xb6: {  	s30 =	sld [smem:$0x0];
	_ =	sdelay $0x2  }
0xb7: {  	s31 =	sshll.u32 s1, $0xD;
	s1 =	sshrl.u32 s1, $0x2  }
0xb8: {  	s3 =	sand.u32 $0x4000, s31;
	s1 =	sadd.s32 s1, s30  }
0xb9: {  	s0 =	sor.u32 s3, s0;
	s1 =	sshll.u32 s1, $0x11  }
0xba: {  	s0 =	sor.u32 s1, s0  }
0xbb: {  	s0 =	sadd.s32 $0x8F2B, s0  }
0xbc: {  	[sflag:s0] =	ssyncadd.remote.s32 $0x1  }
0xbd: {  	_ =	sfence.sel $0xFFFF  }
0xbe: {  	[dreg:$0x0] =	wrdreg $0xFFFFFFFF;
	(pc) =	sbr.abs _section_cstart, $3  }
0xbf: {  	[dreg:$0x1] =	wrdreg $0xFFFFFFFF  }
0xc0: {  	_ =	task.clear_ibuf [dreg:s6], $0x2FFFF;
	_ =	strace $0x9FFFFFFF  }
0xc1: {  	(tm) =	ssettm $0x7FFFFFFF  }
tec
execute0_lowered:
.L_overlay_start_1:
0x0: {  	(tag) =	ssettag $0x1  }
0x1: {  	s4 =	rddreg [dreg:$0x0]  }
0x2: {  	s0 =	rddreg [dreg:$0x1]  }
0x3: {  	s3 =	srdreg.scid;
	s1 =	stileid.u32;
	s2 =	simm.s32 $0x0  }
0x4: {  	s10 =	simm.s32 $0x1;
	s11 =	simm.s32 $0x0;
	s6 =	smul.u32 $0x1A00, s1  }
0x5: {  	s5 =	sand.u32 $0x1, s3;
	[smem:$0x7FF] =	sst s2;
	s8 =	smul.u32 $0x1A000, s1  }
0x6: {  	s3 =	sadd.s32 $0xD000, s4;
	s7 =	smul.u32 $0xD00, s5;
	s9 =	ssub.s32 $0x2, s5  }
0x7: {  	_ =	strace $0x80000053;
	s5 =	smul.u32 $0xD000, s5;
	s31 =	sshrl.u32 s9, $0x1  }
0x8: {  	s30 =	sadd.s32 s8, s4;
	s6 =	sadd.s32 s7, s6;
	s8 =	ssub.s32 s9, s31  }
0x9: {  	s5 =	sadd.s32 s5, s30;
	s7 =	simm.s32 $0x2;
	s6 =	sshrl.u32 s6, $0x3  }
0xa: {  	s9 =	simm.s32 $0x200;
	s5 =	sadd.s32 $0x8B400, s5;
	s6 =	sadd.s32 s6, s4  }
0xb: {  	s4 =	smax.u32 s8, $0x1;
	s8 =	simm.s32 $0x1A0;
	s6 =	sadd.s32 $0x9C00, s6  }
.LBB2_1:
0xc: {  	s12 =	sadd.s32 $0x0, s6  }
0xd: {  	[tilespmem:s2], [sflag:$0x2] =	stream.linear.gather [hbm4b:s12+s2], $0x1A0, $0x38;
	[tilespmem:$0xD200] =	vst v63  }
0xe: {  	_ =	swait.ge [sflag:s7], $0x1A0  }
0xf: {  	[sflag:s7] =	ssyncset.done $0x0  }
0x10: {  	[sflag:s7] =	ssyncadd.s32 $0xFFFFFE60  }
0x11: {  	[tilespmem:s9], [sflag:$0x1] =	stream.indirect.gather [hbm4b:s3+s8], $0x80, s2, s8, $0xb8;
	[tilespmem:$0xD200] =	vst v63  }
0x12: {  	_ =	swait.ge [sflag:s10], $0xD000  }
0x13: {  	[sflag:s10] =	ssyncset.done $0x0  }
0x14: {  	[sflag:s10] =	ssyncadd.s32 $0xFFFF3000  }
0x15: {  	[hbm4b:s5+s2] =	stream.linear.scatter [tilespmem:s9], [sflag:$0x2], $0xD000, $0x38;
	[tilespmem:$0xD200] =	vst v63  }
0x16: {  	s13 =	simm.s32 $0x34;
	_ =	swait.ge [sflag:s7], $0xD000  }
0x17: {  	s14 =	simm.s32 $0x68;
	s12 =	sadd.s32 $0x1A00, s5;
	[sflag:s7] =	ssyncset.done $0x0  }
.LBB2_2:
0x18: {  	s15 =	sadd.s32 s13, s6  }
0x19: {  	[sflag:s7] =	ssyncadd.s32 $0xFFFF3000;
	s13 =	smov.u32 s14;
	s16 =	sadd.s32 $0x34, s14  }
0x1a: {  	[tilespmem:s2], [sflag:$0x2] =	stream.linear.gather [hbm4b:s15+s2], $0x1A0, $0x38;
	[tilespmem:$0xD200] =	vst v63  }
0x1b: {  	p0 =	sne.s32 s14, $0x16C;
	_ =	swait.ge [sflag:s7], $0x1A0  }
0x1c: {  	[sflag:s7] =	ssyncset.done $0x0  }
0x1d: {  	[sflag:s7] =	ssyncadd.s32 $0xFFFFFE60  }
0x1e: {  	[tilespmem:s9], [sflag:$0x1] =	stream.indirect.gather [hbm4b:s3+s8], $0x80, s2, s8, $0xb8;
	[tilespmem:$0xD200] =	vst v63  }
0x1f: {  	_ =	swait.ge [sflag:s10], $0xD000  }
.Ltmp0:
0x20: {  	[sflag:s10] =	ssyncset.done $0x0;
	(pc) =	sbr.rel @p0 .LBB2_2-.Ltmp0, $4  }
0x21: {  	[sflag:s10] =	ssyncadd.s32 $0xFFFF3000  }
0x22: {  	[hbm4b:s12+s2] =	stream.linear.scatter [tilespmem:s9], [sflag:$0x2], $0xD000, $0x38;
	[tilespmem:$0xD200] =	vst v63  }
0x23: {  	_ =	swait.ge [sflag:s7], $0xD000  }
0x24: {  	s14 =	smov.u32 s16;
	s12 =	sadd.s32 $0x1A00, s12;
	[sflag:s7] =	ssyncset.done $0x0  }
0x25: {  	s13 =	sadd.s32 s13, s6;
	[sflag:s7] =	ssyncadd.s32 $0xFFFF3000  }
0x26: {  	[tilespmem:s2], [sflag:$0x2] =	stream.linear.gather [hbm4b:s13+s2], $0x1A0, $0x38;
	[tilespmem:$0xD200] =	vst v63  }
0x27: {  	_ =	swait.ge [sflag:s7], $0x1A0  }
0x28: {  	[sflag:s7] =	ssyncset.done $0x0  }
0x29: {  	[sflag:s7] =	ssyncadd.s32 $0xFFFFFE60  }
0x2a: {  	[tilespmem:s9], [sflag:$0x1] =	stream.indirect.gather [hbm4b:s3+s8], $0x80, s2, s8, $0xb8;
	[tilespmem:$0xD200] =	vst v63  }
0x2b: {  	s11 =	sadd.s32 $0x1, s11;
	_ =	swait.ge [sflag:s10], $0xD000  }
0x2c: {  	p0 =	sne.s32 s11, s4;
	[sflag:s10] =	ssyncset.done $0x0  }
.Ltmp1:
0x2d: {  	[sflag:s10] =	ssyncadd.s32 $0xFFFF3000;
	(pc) =	sbr.rel @p0 .LBB2_1-.Ltmp1, $4  }
0x2e: {  	[hbm4b:s12+s2] =	stream.linear.scatter [tilespmem:s9], [sflag:$0x2], $0xD000, $0x38;
	[tilespmem:$0xD200] =	vst v63  }
0x2f: {  	_ =	swait.ge [sflag:s7], $0xD000  }
0x30: {  	[sflag:s7] =	ssyncset.done $0x0  }
0x31: {  	[sflag:s7] =	ssyncadd.s32 $0xFFFF3000  }
0x32: {  	_ =	sfence.sel $0x180000  }
0x33: {  	[bflag:$0x0] =	sbarrier.arrive $0xFFFF  }
0x34: {  	p0 =	sne.s32 s1, $0x0;
	_ =	strace $0x90000053  }
0x35: {  	s0 =	sadd.s32 @!p0 $0x100000, s0;
	[bflag:$0x2] =	sbarrier.arrive $0xFFFF  }
0x36: {  	[sflag:s0] =	ssyncadd.tile.s32 @!p0 $0x1;
	_ =	shalt  }
.Lfunc_end2:
_tile_overlayer_lowered:
.L_overlay_start_2:
0x37: {  	(tag) =	ssettag $0x2  }
0x38: {  	s0 =	rddreg [dreg:$0x0];
	s2 =	stileid.u32  }
0x39: {  	s1 =	rddreg [dreg:$0x1];
	p0 =	sne.s32 s2, $0x0  }
0x3a: {  	s3 =	rddreg [dreg:$0x2];
	[bflag:$0x3] =	sbarrier.arrive $0xFFFF;
	s2 =	simm.s32 @!p0 $0x1C02  }
0x3b: {  	[timem:s3], [sflag:s2] =	dma.local @!p0 [hbm:s0], s1  }
0x3c: {  	s0 =	simm.s32 @!p0 $0x2  }
0x3d: {  	_ =	swait.ge @!p0 [sflag:s0], s1  }
0x3e: {  	s1 =	ssub.s32 @!p0 $0x0, s1;
	[sflag:s0] =	ssyncset.done @!p0 $0x0  }
0x3f: {  	[sflag:s0] =	ssyncadd.s32 @!p0 s1  }
0x40: {  	[bflag:$0x3] =	sbarrier.arrive $0xFFFF  }
0x41: {  	_ =	shalt  }

// kernel: kernel.17.cloned.1.call-start
scs
__scs_entry_jumppad:
0x0: {  	(pc) =	sbr.rel $0x88, $3  }
0x1: {  	(tag) =	ssettag $0x0;
	lr =	simm.s32 $0x1  }
0x2: {  	[smem:$0x3F6D] =	sst lr;
	_ =	strace $0xD0000000  }
0x3: {  	_ = 	snop  }
0x4: {  	_ = 	snop  }
0x5: {  	_ = 	snop  }
0x6: {  	_ = 	snop  }
0x7: {  	_ = 	snop  }
__scs_overlays_trampoline_lowered:
0x8: {  	[smem:$0x3F7C] =	sst s0  }
0x9: {  	[smem:$0x3F7D] =	sst s1  }
0xa: {  	[smem:$0x3F7E] =	sst s2  }
0xb: {  	[smem:$0x3F7F] =	sst s3  }
0xc: {  	[smem:$0x3F80] =	sst s4  }
0xd: {  	[smem:$0x3F81] =	sst s5  }
0xe: {  	[smem:$0x3F82] =	sst s6  }
0xf: {  	[smem:$0x3F83] =	sst s7  }
0x10: {  	[smem:$0x3F84] =	sst s8  }
0x11: {  	[smem:$0x3F85] =	sst s9;
	s0 =	simm.s32 @!p0 $0x0  }
0x12: {  	s1 =	sld [smem:$0x3F6B];
	s0 =	simm.s32 @p0 $0x1  }
0x13: {  	[smem:$0x3F86] =	sst s0;
	s0 =	simm.s32 @!p1 $0x0  }
0x14: {  	s2 =	sld [smem:$0x3F6A];
	s0 =	simm.s32 @p1 $0x1  }
0x15: {  	[smem:$0x3F87] =	sst s0;
	s0 =	simm.s32 @!p2 $0x0  }
0x16: {  	s3 =	sld [smem:$0x3FDB];
	s0 =	simm.s32 @p2 $0x1  }
0x17: {  	s4 =	simm.s32 $0x1BF5;
	[smem:$0x3F89] =	sst s0  }
0x18: {  	s0 =	sld [smem:$0x3F6C];
	_ =	swait.ge [sflag:s4], $0x0  }
0x19: {  	s7 =	sld [smem:$0x3F6D]  }
0x1a: {  	s8 =	sadd.s32 $0xFFFFE003, lr  }
0x1b: {  	s9 =	sadd.s32 $0xFFFFFEF7, lr;
	s5 =	simm.s32 $0xFFFFFFFF;
	p2 =	slt.u32 s8, $0xFFFFF086  }
0x1c: {  	p1 =	slt.u32 s9, $0xF7A;
	s5 =	simm.s32 @!p2 $0x0  }
0x1d: {  	s5 =	simm.s32 @p1 $0x1;
	p0 =	seq.s32 s7, s2  }
0x1e: {  	s7 =	smul.u32 @!p0 $0xF7A, s2;
	p2 =	seq.s32 @!p0 s5, $0x0  }
0x1f: {  	s9 =	smul.u32 $0xF7A, s1;
	s8 =	simm.s32 @!p0 $0x1BF5;
	p2 =	por !p2, p0  }
0x20: {  	[sflag:s8] =	ssyncset.s32 @!p0 $0xFFFFF086;
	s6 =	sadd.s32 @!p0 s3, s7;
	s7 =	simm.s32 @!p0 $0x108  }
0x21: {  	s3 =	sadd.s32 s3, s9;
	s6 =	sadd.s32 @!p0 $0x88, s6;
	s7 =	simm.s32 @p2 $0x1082  }
0x22: {  	[simem:s7], [sflag:s8] =	dma.local @!p0 [hbm:s6], $0xF7A  }
0x23: {  	s9 =	sor.u32 $0xD0000000, s2;
	s6 =	simm.s32 $0x108;
	_ =	swait.ge @!p0 [sflag:s8], $0x0  }
0x24: {  	s3 =	sadd.s32 $0x88, s3;
	s6 =	simm.s32 @!p1 $0x1082;
	[sflag:s4] =	ssyncset.s32 $0xFFFFF086  }
0x25: {  	[simem:s6], [sflag:s4] =	dma.local [hbm:s3], $0xF7A  }
0x26: {  	[smem:$0x3F6D] =	sst s1;
	(tag) =	ssettag s2;
	_ =	strace s9  }
0x27: {  	s1 =	sld [smem:$0x3F7D]  }
0x28: {  	s2 =	sld [smem:$0x3F7E]  }
0x29: {  	s4 =	sld [smem:$0x3F80]  }
0x2a: {  	p0 =	seq.s32 s5, $0x0;
	s5 =	sld [smem:$0x3F81]  }
0x2b: {  	s6 =	sld [smem:$0x3F82]  }
0x2c: {  	s7 =	sld [smem:$0x3F83]  }
0x2d: {  	s3 =	simm.s32 $0x108;
	s8 =	sld [smem:$0x3F84]  }
0x2e: {  	s3 =	simm.s32 @!p0 $0x1082;
	s9 =	sld [smem:$0x3F85]  }
0x2f: {  	lr =	sadd.s32 s0, s3;
	s0 =	sld [smem:$0x3F7C]  }
0x30: {  	s3 =	sld [smem:$0x3F7F]  }
0x31: {  	[smem:$0x3F88] =	sst s10  }
0x32: {  	s10 =	sld [smem:$0x3F86];
	_ =	sdelay $0x3  }
0x33: {  	p0 =	seq.s32 s10, $0x1;
	s10 =	sld [smem:$0x3F88];
	_ =	sdelay $0x3  }
0x34: {  	[smem:$0x3F88] =	sst s10  }
0x35: {  	s10 =	sld [smem:$0x3F87];
	_ =	sdelay $0x3  }
0x36: {  	p1 =	seq.s32 s10, $0x1;
	s10 =	sld [smem:$0x3F88];
	_ =	sdelay $0x3  }
0x37: {  	[smem:$0x3F88] =	sst s10  }
0x38: {  	s10 =	sld [smem:$0x3F89]  }
0x39: {  	_ = 	snop;
	(pc) =	sbr.ind lr, $3  }
0x3a: {  	_ = 	snop  }
0x3b: {  	_ = 	snop  }
0x3c: {  	p2 =	seq.s32 s10, $0x1;
	s10 =	sld [smem:$0x3F88]  }
0x3d: {  	_ =	shalt  }
0x3e: {  	_ =	shalt  }
0x3f: {  	_ =	shalt  }
0x40: {  	_ =	shalt  }
0x41: {  	_ =	shalt  }
0x42: {  	_ =	shalt  }
0x43: {  	_ =	shalt  }
0x44: {  	_ =	shalt  }
0x45: {  	_ =	shalt  }
0x46: {  	_ =	shalt  }
0x47: {  	_ =	shalt  }
0x48: {  	_ =	shalt  }
0x49: {  	_ =	shalt  }
0x4a: {  	_ =	shalt  }
0x4b: {  	_ =	shalt  }
0x4c: {  	_ =	shalt  }
0x4d: {  	_ =	shalt  }
0x4e: {  	_ =	shalt  }
0x4f: {  	_ =	shalt  }
0x50: {  	_ =	shalt  }
0x51: {  	_ =	shalt  }
0x52: {  	_ =	shalt  }
0x53: {  	_ =	shalt  }
0x54: {  	_ =	shalt  }
0x55: {  	_ =	shalt  }
0x56: {  	_ =	shalt  }
0x57: {  	_ =	shalt  }
0x58: {  	_ =	shalt  }
0x59: {  	_ =	shalt  }
0x5a: {  	_ =	shalt  }
0x5b: {  	_ =	shalt  }
0x5c: {  	_ =	shalt  }
0x5d: {  	_ =	shalt  }
0x5e: {  	_ =	shalt  }
0x5f: {  	_ =	shalt  }
0x60: {  	_ =	shalt  }
0x61: {  	_ =	shalt  }
0x62: {  	_ =	shalt  }
0x63: {  	_ =	shalt  }
0x64: {  	_ =	shalt  }
0x65: {  	_ =	shalt  }
0x66: {  	_ =	shalt  }
0x67: {  	_ =	shalt  }
0x68: {  	_ =	shalt  }
0x69: {  	_ =	shalt  }
0x6a: {  	_ =	shalt  }
0x6b: {  	_ =	shalt  }
0x6c: {  	_ =	shalt  }
0x6d: {  	_ =	shalt  }
0x6e: {  	_ =	shalt  }
0x6f: {  	_ =	shalt  }
0x70: {  	_ =	shalt  }
0x71: {  	_ =	shalt  }
0x72: {  	_ =	shalt  }
0x73: {  	_ =	shalt  }
0x74: {  	_ =	shalt  }
0x75: {  	_ =	shalt  }
0x76: {  	_ =	shalt  }
0x77: {  	_ =	shalt  }
0x78: {  	_ =	shalt  }
0x79: {  	_ =	shalt  }
0x7a: {  	_ =	shalt  }
0x7b: {  	_ =	shalt  }
0x7c: {  	_ =	shalt  }
0x7d: {  	_ =	shalt  }
0x7e: {  	_ =	shalt  }
0x7f: {  	_ =	shalt  }
0x80: {  	_ =	shalt  }
0x81: {  	_ =	shalt  }
0x82: {  	_ =	shalt  }
0x83: {  	_ =	shalt  }
0x84: {  	_ =	shalt  }
0x85: {  	_ =	shalt  }
0x86: {  	_ =	shalt  }
0x87: {  	_ =	shalt  }
.Lfunc_end0:
.L_simem_size_0:
called_computation.5_lowered:
.L_overlay_start_0:
0x88: {  	s2 =	sld [smem:$0x3FD9]  }
0x89: {  	s3 =	sld [smem:$0x3FFE];
	_ =	sdelay $0x1  }
0x8a: {  	s1 =	srdreg.scid  }
0x8b: {  	s0 =	sand.u32 $0x1, s1  }
0x8c: {  	s16 =	sshll.u32 s0, $0xA;
	s2 =	sadd.s32 s3, s2  }
0x8d: {  	s2 =	sadd.s32 s2, s16  }
0x8e: {  	[smem:$0x3F94] =	sst s2  }
0x8f: {  	_ = 	snop  }
0x90: {  	(tm) =	ssettm $0x1  }
0x91: {  	s17 =	sld [smem:$0x3FFB];
	_ =	sdelay $0x3  }
0x92: {  	_ =	strace s17  }
0x93: {  	s2 =	sld [smem:$0x3FFC];
	_ =	sdelay $0x3  }
0x94: {  	_ =	strace s2  }
0x95: {  	s2 =	sld [smem:$0x3FFD];
	_ =	sdelay $0x3  }
0x96: {  	_ =	strace s2  }
0x97: {  	_ =	strace $0x8FFFFFFF  }
0x98: {  	s18 =	sld [smem:$0x3FDB];
	_ =	sdelay $0x1  }
0x99: {  	s19 =	simm.s32 $_scs_section_size  }
0x9a: {  	s4 =	simm.s32 $_size__tile_overlayer_lowered;
	s5 =	simm.s32 $_tile_overlayer_lowered  }
0x9b: {  	s22 =	simm.s32 $0x1BFF;
	s21 =	sshll.u32 s5, $0x1;
	s2 =	sadd.s32 s19, s18  }
0x9c: {  	s6 =	simm.s32 $0x0;
	s20 =	sshll.u32 s4, $0x1;
	s4 =	sadd.s32 s21, s2  }
0x9d: {  	[timem:s6], [sflag:s22] =	dma.local [hbm:s4], s20  }
0x9e: {  	_ =	swait.ge [sflag:s22], s20  }
0x9f: {  	s3 =	ssub.s32 $0x0, s20;
	[sflag:s22] =	ssyncset.done $0x0  }
0xa0: {  	[sflag:s22] =	ssyncadd.s32 s3;
	_ =	sdelay $0x1  }
0xa1: {  	s23 =	simm.s32 $0x1B8B  }
0xa2: {  	_ =	swait.ge [sflag:s23], $0x1  }
0xa3: {  	[sflag:s23] =	ssyncset.done $0x0  }
0xa4: {  	s25 =	simm.s32 $0x1B8E;
	s24 =	sld [smem:$0x3FFE];
	[sflag:s23] =	ssyncadd.s32 $0xFFFFFFFF  }
0xa5: {  	s26 =	simm.s32 $execute0_lowered;
	[smem:$0x3FD2] =	sst s25  }
0xa6: {  	s4 =	sshll.u32 s26, $0x1;
	_ =	strace $0x80000055;
	[dreg:$0x1] =	wrdreg $0xFFFFFFFF  }
0xa7: {  	s28 =	simm.s32 $_size_execute0_lowered;
	s2 =	sadd.s32 s2, s4;
	[dreg:$0x0] =	wrdreg $0x0  }
0xa8: {  	s4 =	sshll.u32 s28, $0x1;
	[dreg:$0x2] =	wrdreg s2  }
0xa9: {  	[dreg:$0x3] =	wrdreg s4  }
0xaa: {  	[dreg:$0x4] =	wrdreg $0xC0  }
0xab: {  	_ =	task [dreg:s6], $0x5FFFF  }
0xac: {  	[dreg:$0x1] =	wrdreg $0xFFFFFFFF  }
0xad: {  	[dreg:$0x0] =	wrdreg $0x60  }
0xae: {  	[dreg:$0x2] =	wrdreg s24  }
0xaf: {  	[dreg:$0x3] =	wrdreg $0x9  }
0xb0: {  	_ =	task.clear_ibuf [dreg:s6], $0x4FFFF;
	_ =	strace $0x90000055  }
0xb1: {  	s29 =	simm.s32 $0x9;
	_ =	strace $0x80000057  }
0xb2: {  	_ =	swait.ge [sflag:s29], $0x1  }
0xb3: {  	[sflag:s29] =	ssyncadd.s32 $0xFFFFFFFF  }
0xb4: {  	_ =	strace $0x90000057  }
0xb5: {  	_ =	sfence  }
0xb6: {  	s30 =	sld [smem:$0x0];
	_ =	sdelay $0x2  }
0xb7: {  	s31 =	sshll.u32 s1, $0xD;
	s1 =	sshrl.u32 s1, $0x2  }
0xb8: {  	s3 =	sand.u32 $0x4000, s31;
	s1 =	sadd.s32 s1, s30  }
0xb9: {  	s0 =	sor.u32 s3, s0;
	s1 =	sshll.u32 s1, $0x11  }
0xba: {  	s0 =	sor.u32 s1, s0  }
0xbb: {  	s0 =	sadd.s32 $0x8F2B, s0  }
0xbc: {  	[sflag:s0] =	ssyncadd.remote.s32 $0x1  }
0xbd: {  	_ =	sfence.sel $0xFFFF  }
0xbe: {  	[dreg:$0x0] =	wrdreg $0xFFFFFFFF;
	(pc) =	sbr.abs _section_cstart, $3  }
0xbf: {  	[dreg:$0x1] =	wrdreg $0xFFFFFFFF  }
0xc0: {  	_ =	task.clear_ibuf [dreg:s6], $0x2FFFF;
	_ =	strace $0x9FFFFFFF  }
0xc1: {  	(tm) =	ssettm $0x7FFFFFFF  }
tec
execute0_lowered:
.L_overlay_start_1:
0x0: {  	(tag) =	ssettag $0x1  }
0x1: {  	s4 =	rddreg [dreg:$0x0]  }
0x2: {  	s0 =	rddreg [dreg:$0x1]  }
0x3: {  	s3 =	srdreg.scid;
	s1 =	stileid.u32;
	s2 =	simm.s32 $0x0  }
0x4: {  	s10 =	simm.s32 $0x1;
	s11 =	simm.s32 $0x0;
	s6 =	smul.u32 $0x1A00, s1  }
0x5: {  	s5 =	sand.u32 $0x1, s3;
	[smem:$0x7FF] =	sst s2;
	s8 =	smul.u32 $0x1A000, s1  }
0x6: {  	s3 =	sadd.s32 $0xD000, s4;
	s7 =	smul.u32 $0xD00, s5;
	s9 =	ssub.s32 $0x2, s5  }
0x7: {  	_ =	strace $0x80000056;
	s5 =	smul.u32 $0xD000, s5;
	s31 =	sshrl.u32 s9, $0x1  }
0x8: {  	s30 =	sadd.s32 s8, s4;
	s6 =	sadd.s32 s7, s6;
	s8 =	ssub.s32 s9, s31  }
0x9: {  	s5 =	sadd.s32 s5, s30;
	s7 =	simm.s32 $0x2;
	s6 =	sshrl.u32 s6, $0x3  }
0xa: {  	s9 =	simm.s32 $0x200;
	s5 =	sadd.s32 $0x8B400, s5;
	s6 =	sadd.s32 s6, s4  }
0xb: {  	s4 =	smax.u32 s8, $0x1;
	s8 =	simm.s32 $0x1A0;
	s6 =	sadd.s32 $0x9C00, s6  }
.LBB2_1:
0xc: {  	s12 =	sadd.s32 $0x0, s6  }
0xd: {  	[tilespmem:s2], [sflag:$0x2] =	stream.linear.gather [hbm4b:s12+s2], $0x1A0, $0x38;
	[tilespmem:$0xD200] =	vst v63  }
0xe: {  	_ =	swait.ge [sflag:s7], $0x1A0  }
0xf: {  	[sflag:s7] =	ssyncset.done $0x0  }
0x10: {  	[sflag:s7] =	ssyncadd.s32 $0xFFFFFE60  }
0x11: {  	[tilespmem:s9], [sflag:$0x1] =	stream.indirect.gather [hbm4b:s3+s8], $0x80, s2, s8, $0xb8;
	[tilespmem:$0xD200] =	vst v63  }
0x12: {  	_ =	swait.ge [sflag:s10], $0xD000  }
0x13: {  	[sflag:s10] =	ssyncset.done $0x0  }
0x14: {  	[sflag:s10] =	ssyncadd.s32 $0xFFFF3000  }
0x15: {  	[hbm4b:s5+s2] =	stream.linear.scatter [tilespmem:s9], [sflag:$0x2], $0xD000, $0x38;
	[tilespmem:$0xD200] =	vst v63  }
0x16: {  	s13 =	simm.s32 $0x34;
	_ =	swait.ge [sflag:s7], $0xD000  }
0x17: {  	s14 =	simm.s32 $0x68;
	s12 =	sadd.s32 $0x1A00, s5;
	[sflag:s7] =	ssyncset.done $0x0  }
.LBB2_2:
0x18: {  	s15 =	sadd.s32 s13, s6  }
0x19: {  	[sflag:s7] =	ssyncadd.s32 $0xFFFF3000;
	s13 =	smov.u32 s14;
	s16 =	sadd.s32 $0x34, s14  }
0x1a: {  	[tilespmem:s2], [sflag:$0x2] =	stream.linear.gather [hbm4b:s15+s2], $0x1A0, $0x38;
	[tilespmem:$0xD200] =	vst v63  }
0x1b: {  	p0 =	sne.s32 s14, $0x16C;
	_ =	swait.ge [sflag:s7], $0x1A0  }
0x1c: {  	[sflag:s7] =	ssyncset.done $0x0  }
0x1d: {  	[sflag:s7] =	ssyncadd.s32 $0xFFFFFE60  }
0x1e: {  	[tilespmem:s9], [sflag:$0x1] =	stream.indirect.gather [hbm4b:s3+s8], $0x80, s2, s8, $0xb8;
	[tilespmem:$0xD200] =	vst v63  }
0x1f: {  	_ =	swait.ge [sflag:s10], $0xD000  }
.Ltmp0:
0x20: {  	[sflag:s10] =	ssyncset.done $0x0;
	(pc) =	sbr.rel @p0 .LBB2_2-.Ltmp0, $4  }
0x21: {  	[sflag:s10] =	ssyncadd.s32 $0xFFFF3000  }
0x22: {  	[hbm4b:s12+s2] =	stream.linear.scatter [tilespmem:s9], [sflag:$0x2], $0xD000, $0x38;
	[tilespmem:$0xD200] =	vst v63  }
0x23: {  	_ =	swait.ge [sflag:s7], $0xD000  }
0x24: {  	s14 =	smov.u32 s16;
	s12 =	sadd.s32 $0x1A00, s12;
	[sflag:s7] =	ssyncset.done $0x0  }
0x25: {  	s13 =	sadd.s32 s13, s6;
	[sflag:s7] =	ssyncadd.s32 $0xFFFF3000  }
0x26: {  	[tilespmem:s2], [sflag:$0x2] =	stream.linear.gather [hbm4b:s13+s2], $0x1A0, $0x38;
	[tilespmem:$0xD200] =	vst v63  }
0x27: {  	_ =	swait.ge [sflag:s7], $0x1A0  }
0x28: {  	[sflag:s7] =	ssyncset.done $0x0  }
0x29: {  	[sflag:s7] =	ssyncadd.s32 $0xFFFFFE60  }
0x2a: {  	[tilespmem:s9], [sflag:$0x1] =	stream.indirect.gather [hbm4b:s3+s8], $0x80, s2, s8, $0xb8;
	[tilespmem:$0xD200] =	vst v63  }
0x2b: {  	s11 =	sadd.s32 $0x1, s11;
	_ =	swait.ge [sflag:s10], $0xD000  }
0x2c: {  	p0 =	sne.s32 s11, s4;
	[sflag:s10] =	ssyncset.done $0x0  }
.Ltmp1:
0x2d: {  	[sflag:s10] =	ssyncadd.s32 $0xFFFF3000;
	(pc) =	sbr.rel @p0 .LBB2_1-.Ltmp1, $4  }
0x2e: {  	[hbm4b:s12+s2] =	stream.linear.scatter [tilespmem:s9], [sflag:$0x2], $0xD000, $0x38;
	[tilespmem:$0xD200] =	vst v63  }
0x2f: {  	_ =	swait.ge [sflag:s7], $0xD000  }
0x30: {  	[sflag:s7] =	ssyncset.done $0x0  }
0x31: {  	[sflag:s7] =	ssyncadd.s32 $0xFFFF3000  }
0x32: {  	_ =	sfence.sel $0x180000  }
0x33: {  	[bflag:$0x0] =	sbarrier.arrive $0xFFFF  }
0x34: {  	p0 =	sne.s32 s1, $0x0;
	_ =	strace $0x90000056  }
0x35: {  	s0 =	sadd.s32 @!p0 $0x100000, s0;
	[bflag:$0x2] =	sbarrier.arrive $0xFFFF  }
0x36: {  	[sflag:s0] =	ssyncadd.tile.s32 @!p0 $0x1;
	_ =	shalt  }
.Lfunc_end2:
_tile_overlayer_lowered:
.L_overlay_start_2:
0x37: {  	(tag) =	ssettag $0x2  }
0x38: {  	s0 =	rddreg [dreg:$0x0];
	s2 =	stileid.u32  }
0x39: {  	s1 =	rddreg [dreg:$0x1];
	p0 =	sne.s32 s2, $0x0  }
0x3a: {  	s3 =	rddreg [dreg:$0x2];
	[bflag:$0x3] =	sbarrier.arrive $0xFFFF;
	s2 =	simm.s32 @!p0 $0x1C02  }
0x3b: {  	[timem:s3], [sflag:s2] =	dma.local @!p0 [hbm:s0], s1  }
0x3c: {  	s0 =	simm.s32 @!p0 $0x2  }
0x3d: {  	_ =	swait.ge @!p0 [sflag:s0], s1  }
0x3e: {  	s1 =	ssub.s32 @!p0 $0x0, s1;
	[sflag:s0] =	ssyncset.done @!p0 $0x0  }
0x3f: {  	[sflag:s0] =	ssyncadd.s32 @!p0 s1  }
0x40: {  	[bflag:$0x3] =	sbarrier.arrive $0xFFFF  }
0x41: {  	_ =	shalt  }

</sc_bundles>
